<compile_context>
chip_gen: v7x
topology: tpu7x:2x2x1
jax: 0.10.2.dev20260603
libtpu: 0.0.44.dev20260713+nightly
codegen_flags: <defaults>
</compile_context>

<pallas_src>
import functools

import jax
import jax.numpy as jnp
from jax import lax
from jax.experimental import pallas as pl
from jax.experimental.pallas import tpu as pltpu
from jax.experimental.pallas import tpu_sc as plsc

D = 128
NW = 32
CHUNK = 80
K = 4


def _embed_lookup(idx, table):
    mesh = plsc.VectorSubcoreMesh(core_axis_name="c", subcore_axis_name="s")
    B = idx.shape[0]
    b_per_w = B // NW
    n_chunks = b_per_w // CHUNK
    n_groups = n_chunks // K
    assert n_chunks % K == 0 and n_groups >= 3

    @functools.partial(
        pl.kernel,
        mesh=mesh,
        out_type=jax.ShapeDtypeStruct((B, D), jnp.float32),
        scratch_types=[
            pltpu.VMEM((b_per_w,), jnp.int32),
            pltpu.VMEM((2, K, CHUNK, D), jnp.float32),
            pltpu.SemaphoreType.DMA,
            pltpu.SemaphoreType.DMA,
            pltpu.SemaphoreType.DMA,
        ],
    )
    def body(idx_hbm, table_hbm, out_hbm, idx_v, rows_v, gsem, osem0, osem1):
        wid = lax.axis_index("s") * 2 + lax.axis_index("c")
        base = wid * b_per_w
        pltpu.sync_copy(idx_hbm.at[pl.ds(base, b_per_w)], idx_v)
        osems = (osem0, osem1)

        def run_group(g, p, drain_prev):
            if drain_prev:
                for b in range(K):
                    pltpu.make_async_copy(
                        rows_v.at[p, b], out_hbm.at[pl.ds(base, CHUNK)],
                        osems[p],
                    ).wait()
            descs = []
            for b in range(K):
                off = (g * K + b) * CHUNK
                descs.append(pltpu.async_copy(
                    table_hbm.at[idx_v.at[pl.ds(off, CHUNK)]],
                    rows_v.at[p, b], gsem,
                ))
            for d in descs:
                d.wait()
            for b in range(K):
                off = (g * K + b) * CHUNK
                pltpu.async_copy(
                    rows_v.at[p, b], out_hbm.at[pl.ds(base + off, CHUNK)],
                    osems[p],
                )

        run_group(0, 0, False)
        run_group(1, 1, False)
        n_super = (n_groups - 2) // 2

        def super_body(s, carry):
            run_group(2 + 2 * s, 0, True)
            run_group(3 + 2 * s, 1, True)
            return carry

        lax.fori_loop(0, n_super, super_body, 0)
        if (n_groups - 2) % 2:
            run_group(n_groups - 1, 0, True)
        for p in range(2):
            for b in range(K):
                pltpu.make_async_copy(
                    rows_v.at[p, b], out_hbm.at[pl.ds(base, CHUNK)], osems[p],
                ).wait()

    return body(idx, table)


def kernel(x, table):
    n_batch, t = x.shape
    idx = x.T.reshape(n_batch * t).astype(jnp.int32)
    out = _embed_lookup(idx, table)
    return out.reshape(t, n_batch, D).transpose(1, 0, 2)

# --- scband reference (transcript-rebuilt; emitter-appended) ---
"""Pipeline reference for scband-token-embed-76656576299341 (READ-ONLY COPY).

The authoritative reference and input builder live on the scoring server;
editing this copy changes nothing except your own understanding.
"""

import jax, jax.numpy as jnp
import numpy as np

VOCAB_SIZE = 100000
EMBED_DIM = 128
BATCH = 4096
HIST_LEN = 50

def setup_inputs(seed: int = 0) -> dict:
    key = jax.random.key(seed)
    k1, k2 = jax.random.split(key)
    x = jax.random.randint(k1, (BATCH, HIST_LEN), 0, VOCAB_SIZE, dtype=jnp.int64 if jax.config.read('jax_enable_x64') else jnp.int32)
    table = jax.random.normal(k2, (VOCAB_SIZE, EMBED_DIM), dtype=jnp.float32)
    return {"x": x, "table": table}

def reference(x, table):
    # nn.Embedding forward: row gather from the embedding table
    return jnp.take(table, x, axis=0)

if __name__ == "__main__":
    import jax
    _d = setup_inputs()
    print(jax.jit(kernel)(*tuple(_d.values())))

</pallas_src>

<mosaic_0001>
#map = affine_map<(d0, d1) -> (0)>
#map1 = affine_map<(d0, d1) -> (0, 0)>
module attributes {stable_mosaic.version = 14 : i64} {
  func.func @body(%arg0: i32, %arg1: i32, %arg2: memref<204800xi32, #tpu.memory_space<hbm>>, %arg3: memref<100000x128xf32, #tpu.memory_space<hbm>>, %arg4: memref<204800x128xf32, #tpu.memory_space<hbm>>, %arg5: memref<6400xi32, #tpu.memory_space<vmem>>, %arg6: memref<2x4x80x128xf32, #tpu.memory_space<vmem>>, %arg7: memref<!tpu.dma_semaphore, #tpu.memory_space<semaphore_mem>>, %arg8: memref<!tpu.dma_semaphore, #tpu.memory_space<semaphore_mem>>, %arg9: memref<!tpu.dma_semaphore, #tpu.memory_space<semaphore_mem>>) attributes {dimension_semantics = [#tpu.dimension_semantics<core_parallel>, #tpu.dimension_semantics<subcore_parallel>], iteration_bounds = array<i64: 2, 16>, scalar_prefetch = 0 : i64, scratch_operands = 5 : i64, tpu.core_type = #tpu.core_type<sc_vector_subcore>, window_params = [{transform_indices = #map}, {transform_indices = #map1}, {transform_indices = #map1}]} {
    %mul3A = arith.constant 2 : i32
    %mul3A_0 = arith.muli %arg1, %mul3A : i32
    %add3A = arith.addi %mul3A_0, %arg0 : i32
    %mul3A_1 = arith.constant 6400 : i32
    %mul3A_2 = arith.muli %add3A, %mul3A_1 : i32
    "tpu.region"() ({
      %run_scoped3A = tpu.sem_alloc : memref<!tpu.dma_semaphore, #tpu.memory_space<semaphore_mem>>
      %dma_start3A_422 = tpu.memref_slice %arg2[%mul3A_2] : memref<204800xi32, #tpu.memory_space<hbm>> -> memref<6400xi32, #tpu.memory_space<hbm>>
      %dma_start3A_423 = tpu.memref_slice %arg2[%mul3A_2] : memref<204800xi32, #tpu.memory_space<hbm>> -> memref<6400xi32, #tpu.memory_space<hbm>>
      tpu.enqueue_dma source(%dma_start3A_423 : memref<6400xi32, #tpu.memory_space<hbm>>) target(%arg5 : memref<6400xi32, #tpu.memory_space<vmem>>) target_semaphore(%run_scoped3A : memref<!tpu.dma_semaphore, #tpu.memory_space<semaphore_mem>>)
      %dma_wait3A_424 = tpu.memref_slice %arg2[%mul3A_2] : memref<204800xi32, #tpu.memory_space<hbm>> -> memref<6400xi32, #tpu.memory_space<hbm>>
      %dma_wait3A_425 = tpu.memref_slice %arg2[%mul3A_2] : memref<204800xi32, #tpu.memory_space<hbm>> -> memref<6400xi32, #tpu.memory_space<hbm>>
      tpu.wait_dma2 semaphore(%run_scoped3A : memref<!tpu.dma_semaphore, #tpu.memory_space<semaphore_mem>>) src(%dma_wait3A_425 : memref<6400xi32, #tpu.memory_space<hbm>>) dst(%arg5 : memref<6400xi32, #tpu.memory_space<vmem>>)
      tpu.yield
    }) : () -> ()
    %dma_start3A = arith.constant 0 : i32
    %dma_start3A_3 = arith.constant 0 : i32
    %dma_start3A_4 = arith.constant 0 : i32
    %dma_start3A_5 = arith.constant 0 : i32
    %dma_start3A_6 = tpu.memref_slice %arg6[%dma_start3A, %dma_start3A_3, %dma_start3A_4, %dma_start3A_5] : memref<2x4x80x128xf32, #tpu.memory_space<vmem>> -> memref<1x1x80x128xf32, #tpu.memory_space<vmem>>
    %dma_start3A_7 = tpu.memref_squeeze %dma_start3A_6 : memref<1x1x80x128xf32, #tpu.memory_space<vmem>> -> memref<80x128xf32, #tpu.memory_space<vmem>>
    %dma_start3A_8 = arith.constant 0 : i32
    %dma_start3A_9 = tpu.memref_slice %arg5[%dma_start3A_8] : memref<6400xi32, #tpu.memory_space<vmem>> -> memref<80xi32, #tpu.memory_space<vmem>>
    %dma_start3A_10 = arith.constant 0 : i32
    %dma_start3A_11 = arith.constant 0 : i32
    %dma_start3A_12 = tpu.memref_slice %arg3[%dma_start3A_10, %dma_start3A_11] : memref<100000x128xf32, #tpu.memory_space<hbm>> -> memref<100000x128xf32, #tpu.memory_space<hbm>>
    tpu.enqueue_indirect_dma source(%dma_start3A_12 : memref<100000x128xf32, #tpu.memory_space<hbm>>) target(%dma_start3A_7 : memref<80x128xf32, #tpu.memory_space<vmem>>) offsets(%dma_start3A_9 : memref<80xi32, #tpu.memory_space<vmem>>) semaphore(%arg7 : memref<!tpu.dma_semaphore, #tpu.memory_space<semaphore_mem>>)
    %dma_start3A_13 = arith.constant 0 : i32
    %dma_start3A_14 = arith.constant 1 : i32
    %dma_start3A_15 = arith.constant 0 : i32
    %dma_start3A_16 = arith.constant 0 : i32
    %dma_start3A_17 = tpu.memref_slice %arg6[%dma_start3A_13, %dma_start3A_14, %dma_start3A_15, %dma_start3A_16] : memref<2x4x80x128xf32, #tpu.memory_space<vmem>> -> memref<1x1x80x128xf32, #tpu.memory_space<vmem>>
    %dma_start3A_18 = tpu.memref_squeeze %dma_start3A_17 : memref<1x1x80x128xf32, #tpu.memory_space<vmem>> -> memref<80x128xf32, #tpu.memory_space<vmem>>
    %dma_start3A_19 = arith.constant 80 : i32
    %dma_start3A_20 = tpu.memref_slice %arg5[%dma_start3A_19] : memref<6400xi32, #tpu.memory_space<vmem>> -> memref<80xi32, #tpu.memory_space<vmem>>
    %dma_start3A_21 = arith.constant 0 : i32
    %dma_start3A_22 = arith.constant 0 : i32
    %dma_start3A_23 = tpu.memref_slice %arg3[%dma_start3A_21, %dma_start3A_22] : memref<100000x128xf32, #tpu.memory_space<hbm>> -> memref<100000x128xf32, #tpu.memory_space<hbm>>
    tpu.enqueue_indirect_dma source(%dma_start3A_23 : memref<100000x128xf32, #tpu.memory_space<hbm>>) target(%dma_start3A_18 : memref<80x128xf32, #tpu.memory_space<vmem>>) offsets(%dma_start3A_20 : memref<80xi32, #tpu.memory_space<vmem>>) semaphore(%arg7 : memref<!tpu.dma_semaphore, #tpu.memory_space<semaphore_mem>>)
    %dma_start3A_24 = arith.constant 0 : i32
    %dma_start3A_25 = arith.constant 2 : i32
    %dma_start3A_26 = arith.constant 0 : i32
    %dma_start3A_27 = arith.constant 0 : i32
    %dma_start3A_28 = tpu.memref_slice %arg6[%dma_start3A_24, %dma_start3A_25, %dma_start3A_26, %dma_start3A_27] : memref<2x4x80x128xf32, #tpu.memory_space<vmem>> -> memref<1x1x80x128xf32, #tpu.memory_space<vmem>>
    %dma_start3A_29 = tpu.memref_squeeze %dma_start3A_28 : memref<1x1x80x128xf32, #tpu.memory_space<vmem>> -> memref<80x128xf32, #tpu.memory_space<vmem>>
    %dma_start3A_30 = arith.constant 160 : i32
    %dma_start3A_31 = tpu.memref_slice %arg5[%dma_start3A_30] : memref<6400xi32, #tpu.memory_space<vmem>> -> memref<80xi32, #tpu.memory_space<vmem>>
    %dma_start3A_32 = arith.constant 0 : i32
    %dma_start3A_33 = arith.constant 0 : i32
    %dma_start3A_34 = tpu.memref_slice %arg3[%dma_start3A_32, %dma_start3A_33] : memref<100000x128xf32, #tpu.memory_space<hbm>> -> memref<100000x128xf32, #tpu.memory_space<hbm>>
    tpu.enqueue_indirect_dma source(%dma_start3A_34 : memref<100000x128xf32, #tpu.memory_space<hbm>>) target(%dma_start3A_29 : memref<80x128xf32, #tpu.memory_space<vmem>>) offsets(%dma_start3A_31 : memref<80xi32, #tpu.memory_space<vmem>>) semaphore(%arg7 : memref<!tpu.dma_semaphore, #tpu.memory_space<semaphore_mem>>)
    %dma_start3A_35 = arith.constant 0 : i32
    %dma_start3A_36 = arith.constant 3 : i32
    %dma_start3A_37 = arith.constant 0 : i32
    %dma_start3A_38 = arith.constant 0 : i32
    %dma_start3A_39 = tpu.memref_slice %arg6[%dma_start3A_35, %dma_start3A_36, %dma_start3A_37, %dma_start3A_38] : memref<2x4x80x128xf32, #tpu.memory_space<vmem>> -> memref<1x1x80x128xf32, #tpu.memory_space<vmem>>
    %dma_start3A_40 = tpu.memref_squeeze %dma_start3A_39 : memref<1x1x80x128xf32, #tpu.memory_space<vmem>> -> memref<80x128xf32, #tpu.memory_space<vmem>>
    %dma_start3A_41 = arith.constant 240 : i32
    %dma_start3A_42 = tpu.memref_slice %arg5[%dma_start3A_41] : memref<6400xi32, #tpu.memory_space<vmem>> -> memref<80xi32, #tpu.memory_space<vmem>>
    %dma_start3A_43 = arith.constant 0 : i32
    %dma_start3A_44 = arith.constant 0 : i32
    %dma_start3A_45 = tpu.memref_slice %arg3[%dma_start3A_43, %dma_start3A_44] : memref<100000x128xf32, #tpu.memory_space<hbm>> -> memref<100000x128xf32, #tpu.memory_space<hbm>>
    tpu.enqueue_indirect_dma source(%dma_start3A_45 : memref<100000x128xf32, #tpu.memory_space<hbm>>) target(%dma_start3A_40 : memref<80x128xf32, #tpu.memory_space<vmem>>) offsets(%dma_start3A_42 : memref<80xi32, #tpu.memory_space<vmem>>) semaphore(%arg7 : memref<!tpu.dma_semaphore, #tpu.memory_space<semaphore_mem>>)
    %dma_wait3A = arith.constant 0 : i32
    %dma_wait3A_46 = arith.constant 0 : i32
    %dma_wait3A_47 = arith.constant 0 : i32
    %dma_wait3A_48 = arith.constant 0 : i32
    %dma_wait3A_49 = tpu.memref_slice %arg6[%dma_wait3A, %dma_wait3A_46, %dma_wait3A_47, %dma_wait3A_48] : memref<2x4x80x128xf32, #tpu.memory_space<vmem>> -> memref<1x1x80x128xf32, #tpu.memory_space<vmem>>
    %dma_wait3A_50 = tpu.memref_squeeze %dma_wait3A_49 : memref<1x1x80x128xf32, #tpu.memory_space<vmem>> -> memref<80x128xf32, #tpu.memory_space<vmem>>
    %dma_wait3A_51 = arith.constant 0 : i32
    %dma_wait3A_52 = tpu.memref_slice %arg5[%dma_wait3A_51] : memref<6400xi32, #tpu.memory_space<vmem>> -> memref<80xi32, #tpu.memory_space<vmem>>
    %dma_wait3A_53 = arith.constant 0 : i32
    %dma_wait3A_54 = arith.constant 0 : i32
    %dma_wait3A_55 = tpu.memref_slice %arg3[%dma_wait3A_53, %dma_wait3A_54] : memref<100000x128xf32, #tpu.memory_space<hbm>> -> memref<100000x128xf32, #tpu.memory_space<hbm>>
    tpu.wait_indirect_dma semaphore(%arg7 : memref<!tpu.dma_semaphore, #tpu.memory_space<semaphore_mem>>) src(%dma_wait3A_55 : memref<100000x128xf32, #tpu.memory_space<hbm>>) dst(%dma_wait3A_50 : memref<80x128xf32, #tpu.memory_space<vmem>>)
    %dma_wait3A_56 = arith.constant 0 : i32
    %dma_wait3A_57 = arith.constant 1 : i32
    %dma_wait3A_58 = arith.constant 0 : i32
    %dma_wait3A_59 = arith.constant 0 : i32
    %dma_wait3A_60 = tpu.memref_slice %arg6[%dma_wait3A_56, %dma_wait3A_57, %dma_wait3A_58, %dma_wait3A_59] : memref<2x4x80x128xf32, #tpu.memory_space<vmem>> -> memref<1x1x80x128xf32, #tpu.memory_space<vmem>>
    %dma_wait3A_61 = tpu.memref_squeeze %dma_wait3A_60 : memref<1x1x80x128xf32, #tpu.memory_space<vmem>> -> memref<80x128xf32, #tpu.memory_space<vmem>>
    %dma_wait3A_62 = arith.constant 80 : i32
    %dma_wait3A_63 = tpu.memref_slice %arg5[%dma_wait3A_62] : memref<6400xi32, #tpu.memory_space<vmem>> -> memref<80xi32, #tpu.memory_space<vmem>>
    %dma_wait3A_64 = arith.constant 0 : i32
    %dma_wait3A_65 = arith.constant 0 : i32
    %dma_wait3A_66 = tpu.memref_slice %arg3[%dma_wait3A_64, %dma_wait3A_65] : memref<100000x128xf32, #tpu.memory_space<hbm>> -> memref<100000x128xf32, #tpu.memory_space<hbm>>
    tpu.wait_indirect_dma semaphore(%arg7 : memref<!tpu.dma_semaphore, #tpu.memory_space<semaphore_mem>>) src(%dma_wait3A_66 : memref<100000x128xf32, #tpu.memory_space<hbm>>) dst(%dma_wait3A_61 : memref<80x128xf32, #tpu.memory_space<vmem>>)
    %dma_wait3A_67 = arith.constant 0 : i32
    %dma_wait3A_68 = arith.constant 2 : i32
    %dma_wait3A_69 = arith.constant 0 : i32
    %dma_wait3A_70 = arith.constant 0 : i32
    %dma_wait3A_71 = tpu.memref_slice %arg6[%dma_wait3A_67, %dma_wait3A_68, %dma_wait3A_69, %dma_wait3A_70] : memref<2x4x80x128xf32, #tpu.memory_space<vmem>> -> memref<1x1x80x128xf32, #tpu.memory_space<vmem>>
    %dma_wait3A_72 = tpu.memref_squeeze %dma_wait3A_71 : memref<1x1x80x128xf32, #tpu.memory_space<vmem>> -> memref<80x128xf32, #tpu.memory_space<vmem>>
    %dma_wait3A_73 = arith.constant 160 : i32
    %dma_wait3A_74 = tpu.memref_slice %arg5[%dma_wait3A_73] : memref<6400xi32, #tpu.memory_space<vmem>> -> memref<80xi32, #tpu.memory_space<vmem>>
    %dma_wait3A_75 = arith.constant 0 : i32
    %dma_wait3A_76 = arith.constant 0 : i32
    %dma_wait3A_77 = tpu.memref_slice %arg3[%dma_wait3A_75, %dma_wait3A_76] : memref<100000x128xf32, #tpu.memory_space<hbm>> -> memref<100000x128xf32, #tpu.memory_space<hbm>>
    tpu.wait_indirect_dma semaphore(%arg7 : memref<!tpu.dma_semaphore, #tpu.memory_space<semaphore_mem>>) src(%dma_wait3A_77 : memref<100000x128xf32, #tpu.memory_space<hbm>>) dst(%dma_wait3A_72 : memref<80x128xf32, #tpu.memory_space<vmem>>)
    %dma_wait3A_78 = arith.constant 0 : i32
    %dma_wait3A_79 = arith.constant 3 : i32
    %dma_wait3A_80 = arith.constant 0 : i32
    %dma_wait3A_81 = arith.constant 0 : i32
    %dma_wait3A_82 = tpu.memref_slice %arg6[%dma_wait3A_78, %dma_wait3A_79, %dma_wait3A_80, %dma_wait3A_81] : memref<2x4x80x128xf32, #tpu.memory_space<vmem>> -> memref<1x1x80x128xf32, #tpu.memory_space<vmem>>
    %dma_wait3A_83 = tpu.memref_squeeze %dma_wait3A_82 : memref<1x1x80x128xf32, #tpu.memory_space<vmem>> -> memref<80x128xf32, #tpu.memory_space<vmem>>
    %dma_wait3A_84 = arith.constant 240 : i32
    %dma_wait3A_85 = tpu.memref_slice %arg5[%dma_wait3A_84] : memref<6400xi32, #tpu.memory_space<vmem>> -> memref<80xi32, #tpu.memory_space<vmem>>
    %dma_wait3A_86 = arith.constant 0 : i32
    %dma_wait3A_87 = arith.constant 0 : i32
    %dma_wait3A_88 = tpu.memref_slice %arg3[%dma_wait3A_86, %dma_wait3A_87] : memref<100000x128xf32, #tpu.memory_space<hbm>> -> memref<100000x128xf32, #tpu.memory_space<hbm>>
    tpu.wait_indirect_dma semaphore(%arg7 : memref<!tpu.dma_semaphore, #tpu.memory_space<semaphore_mem>>) src(%dma_wait3A_88 : memref<100000x128xf32, #tpu.memory_space<hbm>>) dst(%dma_wait3A_83 : memref<80x128xf32, #tpu.memory_space<vmem>>)
    %add3A_89 = arith.constant 0 : i32
    %add3A_90 = arith.addi %mul3A_2, %add3A_89 : i32
    %dma_start3A_91 = arith.constant 0 : i32
    %dma_start3A_92 = arith.constant 0 : i32
    %dma_start3A_93 = arith.constant 0 : i32
    %dma_start3A_94 = arith.constant 0 : i32
    %dma_start3A_95 = tpu.memref_slice %arg6[%dma_start3A_91, %dma_start3A_92, %dma_start3A_93, %dma_start3A_94] : memref<2x4x80x128xf32, #tpu.memory_space<vmem>> -> memref<1x1x80x128xf32, #tpu.memory_space<vmem>>
    %dma_start3A_96 = tpu.memref_squeeze %dma_start3A_95 : memref<1x1x80x128xf32, #tpu.memory_space<vmem>> -> memref<80x128xf32, #tpu.memory_space<vmem>>
    %dma_start3A_97 = arith.constant 0 : i32
    %dma_start3A_98 = tpu.memref_slice %arg4[%add3A_90, %dma_start3A_97] : memref<204800x128xf32, #tpu.memory_space<hbm>> -> memref<80x128xf32, #tpu.memory_space<hbm>>
    %dma_start3A_99 = arith.constant 0 : i32
    %dma_start3A_100 = tpu.memref_slice %arg4[%add3A_90, %dma_start3A_99] : memref<204800x128xf32, #tpu.memory_space<hbm>> -> memref<80x128xf32, #tpu.memory_space<hbm>>
    %dma_start3A_101 = arith.constant 0 : i32
    %dma_start3A_102 = arith.constant 0 : i32
    %dma_start3A_103 = tpu.memref_slice %arg6[%dma_start3A_91, %dma_start3A_92, %dma_start3A_101, %dma_start3A_102] : memref<2x4x80x128xf32, #tpu.memory_space<vmem>> -> memref<1x1x80x128xf32, #tpu.memory_space<vmem>>
    %dma_start3A_104 = tpu.memref_squeeze %dma_start3A_103 : memref<1x1x80x128xf32, #tpu.memory_space<vmem>> -> memref<80x128xf32, #tpu.memory_space<vmem>>
    tpu.enqueue_dma source(%dma_start3A_104 : memref<80x128xf32, #tpu.memory_space<vmem>>) target(%dma_start3A_100 : memref<80x128xf32, #tpu.memory_space<hbm>>) target_semaphore(%arg8 : memref<!tpu.dma_semaphore, #tpu.memory_space<semaphore_mem>>)
    %add3A_105 = arith.constant 80 : i32
    %add3A_106 = arith.addi %mul3A_2, %add3A_105 : i32
    %dma_start3A_107 = arith.constant 0 : i32
    %dma_start3A_108 = arith.constant 1 : i32
    %dma_start3A_109 = arith.constant 0 : i32
    %dma_start3A_110 = arith.constant 0 : i32
    %dma_start3A_111 = tpu.memref_slice %arg6[%dma_start3A_107, %dma_start3A_108, %dma_start3A_109, %dma_start3A_110] : memref<2x4x80x128xf32, #tpu.memory_space<vmem>> -> memref<1x1x80x128xf32, #tpu.memory_space<vmem>>
    %dma_start3A_112 = tpu.memref_squeeze %dma_start3A_111 : memref<1x1x80x128xf32, #tpu.memory_space<vmem>> -> memref<80x128xf32, #tpu.memory_space<vmem>>
    %dma_start3A_113 = arith.constant 0 : i32
    %dma_start3A_114 = tpu.memref_slice %arg4[%add3A_106, %dma_start3A_113] : memref<204800x128xf32, #tpu.memory_space<hbm>> -> memref<80x128xf32, #tpu.memory_space<hbm>>
    %dma_start3A_115 = arith.constant 0 : i32
    %dma_start3A_116 = tpu.memref_slice %arg4[%add3A_106, %dma_start3A_115] : memref<204800x128xf32, #tpu.memory_space<hbm>> -> memref<80x128xf32, #tpu.memory_space<hbm>>
    %dma_start3A_117 = arith.constant 0 : i32
    %dma_start3A_118 = arith.constant 0 : i32
    %dma_start3A_119 = tpu.memref_slice %arg6[%dma_start3A_107, %dma_start3A_108, %dma_start3A_117, %dma_start3A_118] : memref<2x4x80x128xf32, #tpu.memory_space<vmem>> -> memref<1x1x80x128xf32, #tpu.memory_space<vmem>>
    %dma_start3A_120 = tpu.memref_squeeze %dma_start3A_119 : memref<1x1x80x128xf32, #tpu.memory_space<vmem>> -> memref<80x128xf32, #tpu.memory_space<vmem>>
    tpu.enqueue_dma source(%dma_start3A_120 : memref<80x128xf32, #tpu.memory_space<vmem>>) target(%dma_start3A_116 : memref<80x128xf32, #tpu.memory_space<hbm>>) target_semaphore(%arg8 : memref<!tpu.dma_semaphore, #tpu.memory_space<semaphore_mem>>)
    %add3A_121 = arith.constant 160 : i32
    %add3A_122 = arith.addi %mul3A_2, %add3A_121 : i32
    %dma_start3A_123 = arith.constant 0 : i32
    %dma_start3A_124 = arith.constant 2 : i32
    %dma_start3A_125 = arith.constant 0 : i32
    %dma_start3A_126 = arith.constant 0 : i32
    %dma_start3A_127 = tpu.memref_slice %arg6[%dma_start3A_123, %dma_start3A_124, %dma_start3A_125, %dma_start3A_126] : memref<2x4x80x128xf32, #tpu.memory_space<vmem>> -> memref<1x1x80x128xf32, #tpu.memory_space<vmem>>
    %dma_start3A_128 = tpu.memref_squeeze %dma_start3A_127 : memref<1x1x80x128xf32, #tpu.memory_space<vmem>> -> memref<80x128xf32, #tpu.memory_space<vmem>>
    %dma_start3A_129 = arith.constant 0 : i32
    %dma_start3A_130 = tpu.memref_slice %arg4[%add3A_122, %dma_start3A_129] : memref<204800x128xf32, #tpu.memory_space<hbm>> -> memref<80x128xf32, #tpu.memory_space<hbm>>
    %dma_start3A_131 = arith.constant 0 : i32
    %dma_start3A_132 = tpu.memref_slice %arg4[%add3A_122, %dma_start3A_131] : memref<204800x128xf32, #tpu.memory_space<hbm>> -> memref<80x128xf32, #tpu.memory_space<hbm>>
    %dma_start3A_133 = arith.constant 0 : i32
    %dma_start3A_134 = arith.constant 0 : i32
    %dma_start3A_135 = tpu.memref_slice %arg6[%dma_start3A_123, %dma_start3A_124, %dma_start3A_133, %dma_start3A_134] : memref<2x4x80x128xf32, #tpu.memory_space<vmem>> -> memref<1x1x80x128xf32, #tpu.memory_space<vmem>>
    %dma_start3A_136 = tpu.memref_squeeze %dma_start3A_135 : memref<1x1x80x128xf32, #tpu.memory_space<vmem>> -> memref<80x128xf32, #tpu.memory_space<vmem>>
    tpu.enqueue_dma source(%dma_start3A_136 : memref<80x128xf32, #tpu.memory_space<vmem>>) target(%dma_start3A_132 : memref<80x128xf32, #tpu.memory_space<hbm>>) target_semaphore(%arg8 : memref<!tpu.dma_semaphore, #tpu.memory_space<semaphore_mem>>)
    %add3A_137 = arith.constant 240 : i32
    %add3A_138 = arith.addi %mul3A_2, %add3A_137 : i32
    %dma_start3A_139 = arith.constant 0 : i32
    %dma_start3A_140 = arith.constant 3 : i32
    %dma_start3A_141 = arith.constant 0 : i32
    %dma_start3A_142 = arith.constant 0 : i32
    %dma_start3A_143 = tpu.memref_slice %arg6[%dma_start3A_139, %dma_start3A_140, %dma_start3A_141, %dma_start3A_142] : memref<2x4x80x128xf32, #tpu.memory_space<vmem>> -> memref<1x1x80x128xf32, #tpu.memory_space<vmem>>
    %dma_start3A_144 = tpu.memref_squeeze %dma_start3A_143 : memref<1x1x80x128xf32, #tpu.memory_space<vmem>> -> memref<80x128xf32, #tpu.memory_space<vmem>>
    %dma_start3A_145 = arith.constant 0 : i32
    %dma_start3A_146 = tpu.memref_slice %arg4[%add3A_138, %dma_start3A_145] : memref<204800x128xf32, #tpu.memory_space<hbm>> -> memref<80x128xf32, #tpu.memory_space<hbm>>
    %dma_start3A_147 = arith.constant 0 : i32
    %dma_start3A_148 = tpu.memref_slice %arg4[%add3A_138, %dma_start3A_147] : memref<204800x128xf32, #tpu.memory_space<hbm>> -> memref<80x128xf32, #tpu.memory_space<hbm>>
    %dma_start3A_149 = arith.constant 0 : i32
    %dma_start3A_150 = arith.constant 0 : i32
    %dma_start3A_151 = tpu.memref_slice %arg6[%dma_start3A_139, %dma_start3A_140, %dma_start3A_149, %dma_start3A_150] : memref<2x4x80x128xf32, #tpu.memory_space<vmem>> -> memref<1x1x80x128xf32, #tpu.memory_space<vmem>>
    %dma_start3A_152 = tpu.memref_squeeze %dma_start3A_151 : memref<1x1x80x128xf32, #tpu.memory_space<vmem>> -> memref<80x128xf32, #tpu.memory_space<vmem>>
    tpu.enqueue_dma source(%dma_start3A_152 : memref<80x128xf32, #tpu.memory_space<vmem>>) target(%dma_start3A_148 : memref<80x128xf32, #tpu.memory_space<hbm>>) target_semaphore(%arg8 : memref<!tpu.dma_semaphore, #tpu.memory_space<semaphore_mem>>)
    %dma_start3A_153 = arith.constant 1 : i32
    %dma_start3A_154 = arith.constant 0 : i32
    %dma_start3A_155 = arith.constant 0 : i32
    %dma_start3A_156 = arith.constant 0 : i32
    %dma_start3A_157 = tpu.memref_slice %arg6[%dma_start3A_153, %dma_start3A_154, %dma_start3A_155, %dma_start3A_156] : memref<2x4x80x128xf32, #tpu.memory_space<vmem>> -> memref<1x1x80x128xf32, #tpu.memory_space<vmem>>
    %dma_start3A_158 = tpu.memref_squeeze %dma_start3A_157 : memref<1x1x80x128xf32, #tpu.memory_space<vmem>> -> memref<80x128xf32, #tpu.memory_space<vmem>>
    %dma_start3A_159 = arith.constant 320 : i32
    %dma_start3A_160 = tpu.memref_slice %arg5[%dma_start3A_159] : memref<6400xi32, #tpu.memory_space<vmem>> -> memref<80xi32, #tpu.memory_space<vmem>>
    %dma_start3A_161 = arith.constant 0 : i32
    %dma_start3A_162 = arith.constant 0 : i32
    %dma_start3A_163 = tpu.memref_slice %arg3[%dma_start3A_161, %dma_start3A_162] : memref<100000x128xf32, #tpu.memory_space<hbm>> -> memref<100000x128xf32, #tpu.memory_space<hbm>>
    tpu.enqueue_indirect_dma source(%dma_start3A_163 : memref<100000x128xf32, #tpu.memory_space<hbm>>) target(%dma_start3A_158 : memref<80x128xf32, #tpu.memory_space<vmem>>) offsets(%dma_start3A_160 : memref<80xi32, #tpu.memory_space<vmem>>) semaphore(%arg7 : memref<!tpu.dma_semaphore, #tpu.memory_space<semaphore_mem>>)
    %dma_start3A_164 = arith.constant 1 : i32
    %dma_start3A_165 = arith.constant 1 : i32
    %dma_start3A_166 = arith.constant 0 : i32
    %dma_start3A_167 = arith.constant 0 : i32
    %dma_start3A_168 = tpu.memref_slice %arg6[%dma_start3A_164, %dma_start3A_165, %dma_start3A_166, %dma_start3A_167] : memref<2x4x80x128xf32, #tpu.memory_space<vmem>> -> memref<1x1x80x128xf32, #tpu.memory_space<vmem>>
    %dma_start3A_169 = tpu.memref_squeeze %dma_start3A_168 : memref<1x1x80x128xf32, #tpu.memory_space<vmem>> -> memref<80x128xf32, #tpu.memory_space<vmem>>
    %dma_start3A_170 = arith.constant 400 : i32
    %dma_start3A_171 = tpu.memref_slice %arg5[%dma_start3A_170] : memref<6400xi32, #tpu.memory_space<vmem>> -> memref<80xi32, #tpu.memory_space<vmem>>
    %dma_start3A_172 = arith.constant 0 : i32
    %dma_start3A_173 = arith.constant 0 : i32
    %dma_start3A_174 = tpu.memref_slice %arg3[%dma_start3A_172, %dma_start3A_173] : memref<100000x128xf32, #tpu.memory_space<hbm>> -> memref<100000x128xf32, #tpu.memory_space<hbm>>
    tpu.enqueue_indirect_dma source(%dma_start3A_174 : memref<100000x128xf32, #tpu.memory_space<hbm>>) target(%dma_start3A_169 : memref<80x128xf32, #tpu.memory_space<vmem>>) offsets(%dma_start3A_171 : memref<80xi32, #tpu.memory_space<vmem>>) semaphore(%arg7 : memref<!tpu.dma_semaphore, #tpu.memory_space<semaphore_mem>>)
    %dma_start3A_175 = arith.constant 1 : i32
    %dma_start3A_176 = arith.constant 2 : i32
    %dma_start3A_177 = arith.constant 0 : i32
    %dma_start3A_178 = arith.constant 0 : i32
    %dma_start3A_179 = tpu.memref_slice %arg6[%dma_start3A_175, %dma_start3A_176, %dma_start3A_177, %dma_start3A_178] : memref<2x4x80x128xf32, #tpu.memory_space<vmem>> -> memref<1x1x80x128xf32, #tpu.memory_space<vmem>>
    %dma_start3A_180 = tpu.memref_squeeze %dma_start3A_179 : memref<1x1x80x128xf32, #tpu.memory_space<vmem>> -> memref<80x128xf32, #tpu.memory_space<vmem>>
    %dma_start3A_181 = arith.constant 480 : i32
    %dma_start3A_182 = tpu.memref_slice %arg5[%dma_start3A_181] : memref<6400xi32, #tpu.memory_space<vmem>> -> memref<80xi32, #tpu.memory_space<vmem>>
    %dma_start3A_183 = arith.constant 0 : i32
    %dma_start3A_184 = arith.constant 0 : i32
    %dma_start3A_185 = tpu.memref_slice %arg3[%dma_start3A_183, %dma_start3A_184] : memref<100000x128xf32, #tpu.memory_space<hbm>> -> memref<100000x128xf32, #tpu.memory_space<hbm>>
    tpu.enqueue_indirect_dma source(%dma_start3A_185 : memref<100000x128xf32, #tpu.memory_space<hbm>>) target(%dma_start3A_180 : memref<80x128xf32, #tpu.memory_space<vmem>>) offsets(%dma_start3A_182 : memref<80xi32, #tpu.memory_space<vmem>>) semaphore(%arg7 : memref<!tpu.dma_semaphore, #tpu.memory_space<semaphore_mem>>)
    %dma_start3A_186 = arith.constant 1 : i32
    %dma_start3A_187 = arith.constant 3 : i32
    %dma_start3A_188 = arith.constant 0 : i32
    %dma_start3A_189 = arith.constant 0 : i32
    %dma_start3A_190 = tpu.memref_slice %arg6[%dma_start3A_186, %dma_start3A_187, %dma_start3A_188, %dma_start3A_189] : memref<2x4x80x128xf32, #tpu.memory_space<vmem>> -> memref<1x1x80x128xf32, #tpu.memory_space<vmem>>
    %dma_start3A_191 = tpu.memref_squeeze %dma_start3A_190 : memref<1x1x80x128xf32, #tpu.memory_space<vmem>> -> memref<80x128xf32, #tpu.memory_space<vmem>>
    %dma_start3A_192 = arith.constant 560 : i32
    %dma_start3A_193 = tpu.memref_slice %arg5[%dma_start3A_192] : memref<6400xi32, #tpu.memory_space<vmem>> -> memref<80xi32, #tpu.memory_space<vmem>>
    %dma_start3A_194 = arith.constant 0 : i32
    %dma_start3A_195 = arith.constant 0 : i32
    %dma_start3A_196 = tpu.memref_slice %arg3[%dma_start3A_194, %dma_start3A_195] : memref<100000x128xf32, #tpu.memory_space<hbm>> -> memref<100000x128xf32, #tpu.memory_space<hbm>>
    tpu.enqueue_indirect_dma source(%dma_start3A_196 : memref<100000x128xf32, #tpu.memory_space<hbm>>) target(%dma_start3A_191 : memref<80x128xf32, #tpu.memory_space<vmem>>) offsets(%dma_start3A_193 : memref<80xi32, #tpu.memory_space<vmem>>) semaphore(%arg7 : memref<!tpu.dma_semaphore, #tpu.memory_space<semaphore_mem>>)
    %dma_wait3A_197 = arith.constant 1 : i32
    %dma_wait3A_198 = arith.constant 0 : i32
    %dma_wait3A_199 = arith.constant 0 : i32
    %dma_wait3A_200 = arith.constant 0 : i32
    %dma_wait3A_201 = tpu.memref_slice %arg6[%dma_wait3A_197, %dma_wait3A_198, %dma_wait3A_199, %dma_wait3A_200] : memref<2x4x80x128xf32, #tpu.memory_space<vmem>> -> memref<1x1x80x128xf32, #tpu.memory_space<vmem>>
    %dma_wait3A_202 = tpu.memref_squeeze %dma_wait3A_201 : memref<1x1x80x128xf32, #tpu.memory_space<vmem>> -> memref<80x128xf32, #tpu.memory_space<vmem>>
    %dma_wait3A_203 = arith.constant 320 : i32
    %dma_wait3A_204 = tpu.memref_slice %arg5[%dma_wait3A_203] : memref<6400xi32, #tpu.memory_space<vmem>> -> memref<80xi32, #tpu.memory_space<vmem>>
    %dma_wait3A_205 = arith.constant 0 : i32
    %dma_wait3A_206 = arith.constant 0 : i32
    %dma_wait3A_207 = tpu.memref_slice %arg3[%dma_wait3A_205, %dma_wait3A_206] : memref<100000x128xf32, #tpu.memory_space<hbm>> -> memref<100000x128xf32, #tpu.memory_space<hbm>>
    tpu.wait_indirect_dma semaphore(%arg7 : memref<!tpu.dma_semaphore, #tpu.memory_space<semaphore_mem>>) src(%dma_wait3A_207 : memref<100000x128xf32, #tpu.memory_space<hbm>>) dst(%dma_wait3A_202 : memref<80x128xf32, #tpu.memory_space<vmem>>)
    %dma_wait3A_208 = arith.constant 1 : i32
    %dma_wait3A_209 = arith.constant 1 : i32
    %dma_wait3A_210 = arith.constant 0 : i32
    %dma_wait3A_211 = arith.constant 0 : i32
    %dma_wait3A_212 = tpu.memref_slice %arg6[%dma_wait3A_208, %dma_wait3A_209, %dma_wait3A_210, %dma_wait3A_211] : memref<2x4x80x128xf32, #tpu.memory_space<vmem>> -> memref<1x1x80x128xf32, #tpu.memory_space<vmem>>
    %dma_wait3A_213 = tpu.memref_squeeze %dma_wait3A_212 : memref<1x1x80x128xf32, #tpu.memory_space<vmem>> -> memref<80x128xf32, #tpu.memory_space<vmem>>
    %dma_wait3A_214 = arith.constant 400 : i32
    %dma_wait3A_215 = tpu.memref_slice %arg5[%dma_wait3A_214] : memref<6400xi32, #tpu.memory_space<vmem>> -> memref<80xi32, #tpu.memory_space<vmem>>
    %dma_wait3A_216 = arith.constant 0 : i32
    %dma_wait3A_217 = arith.constant 0 : i32
    %dma_wait3A_218 = tpu.memref_slice %arg3[%dma_wait3A_216, %dma_wait3A_217] : memref<100000x128xf32, #tpu.memory_space<hbm>> -> memref<100000x128xf32, #tpu.memory_space<hbm>>
    tpu.wait_indirect_dma semaphore(%arg7 : memref<!tpu.dma_semaphore, #tpu.memory_space<semaphore_mem>>) src(%dma_wait3A_218 : memref<100000x128xf32, #tpu.memory_space<hbm>>) dst(%dma_wait3A_213 : memref<80x128xf32, #tpu.memory_space<vmem>>)
    %dma_wait3A_219 = arith.constant 1 : i32
    %dma_wait3A_220 = arith.constant 2 : i32
    %dma_wait3A_221 = arith.constant 0 : i32
    %dma_wait3A_222 = arith.constant 0 : i32
    %dma_wait3A_223 = tpu.memref_slice %arg6[%dma_wait3A_219, %dma_wait3A_220, %dma_wait3A_221, %dma_wait3A_222] : memref<2x4x80x128xf32, #tpu.memory_space<vmem>> -> memref<1x1x80x128xf32, #tpu.memory_space<vmem>>
    %dma_wait3A_224 = tpu.memref_squeeze %dma_wait3A_223 : memref<1x1x80x128xf32, #tpu.memory_space<vmem>> -> memref<80x128xf32, #tpu.memory_space<vmem>>
    %dma_wait3A_225 = arith.constant 480 : i32
    %dma_wait3A_226 = tpu.memref_slice %arg5[%dma_wait3A_225] : memref<6400xi32, #tpu.memory_space<vmem>> -> memref<80xi32, #tpu.memory_space<vmem>>
    %dma_wait3A_227 = arith.constant 0 : i32
    %dma_wait3A_228 = arith.constant 0 : i32
    %dma_wait3A_229 = tpu.memref_slice %arg3[%dma_wait3A_227, %dma_wait3A_228] : memref<100000x128xf32, #tpu.memory_space<hbm>> -> memref<100000x128xf32, #tpu.memory_space<hbm>>
    tpu.wait_indirect_dma semaphore(%arg7 : memref<!tpu.dma_semaphore, #tpu.memory_space<semaphore_mem>>) src(%dma_wait3A_229 : memref<100000x128xf32, #tpu.memory_space<hbm>>) dst(%dma_wait3A_224 : memref<80x128xf32, #tpu.memory_space<vmem>>)
    %dma_wait3A_230 = arith.constant 1 : i32
    %dma_wait3A_231 = arith.constant 3 : i32
    %dma_wait3A_232 = arith.constant 0 : i32
    %dma_wait3A_233 = arith.constant 0 : i32
    %dma_wait3A_234 = tpu.memref_slice %arg6[%dma_wait3A_230, %dma_wait3A_231, %dma_wait3A_232, %dma_wait3A_233] : memref<2x4x80x128xf32, #tpu.memory_space<vmem>> -> memref<1x1x80x128xf32, #tpu.memory_space<vmem>>
    %dma_wait3A_235 = tpu.memref_squeeze %dma_wait3A_234 : memref<1x1x80x128xf32, #tpu.memory_space<vmem>> -> memref<80x128xf32, #tpu.memory_space<vmem>>
    %dma_wait3A_236 = arith.constant 560 : i32
    %dma_wait3A_237 = tpu.memref_slice %arg5[%dma_wait3A_236] : memref<6400xi32, #tpu.memory_space<vmem>> -> memref<80xi32, #tpu.memory_space<vmem>>
    %dma_wait3A_238 = arith.constant 0 : i32
    %dma_wait3A_239 = arith.constant 0 : i32
    %dma_wait3A_240 = tpu.memref_slice %arg3[%dma_wait3A_238, %dma_wait3A_239] : memref<100000x128xf32, #tpu.memory_space<hbm>> -> memref<100000x128xf32, #tpu.memory_space<hbm>>
    tpu.wait_indirect_dma semaphore(%arg7 : memref<!tpu.dma_semaphore, #tpu.memory_space<semaphore_mem>>) src(%dma_wait3A_240 : memref<100000x128xf32, #tpu.memory_space<hbm>>) dst(%dma_wait3A_235 : memref<80x128xf32, #tpu.memory_space<vmem>>)
    %add3A_241 = arith.constant 320 : i32
    %add3A_242 = arith.addi %mul3A_2, %add3A_241 : i32
    %dma_start3A_243 = arith.constant 1 : i32
    %dma_start3A_244 = arith.constant 0 : i32
    %dma_start3A_245 = arith.constant 0 : i32
    %dma_start3A_246 = arith.constant 0 : i32
    %dma_start3A_247 = tpu.memref_slice %arg6[%dma_start3A_243, %dma_start3A_244, %dma_start3A_245, %dma_start3A_246] : memref<2x4x80x128xf32, #tpu.memory_space<vmem>> -> memref<1x1x80x128xf32, #tpu.memory_space<vmem>>
    %dma_start3A_248 = tpu.memref_squeeze %dma_start3A_247 : memref<1x1x80x128xf32, #tpu.memory_space<vmem>> -> memref<80x128xf32, #tpu.memory_space<vmem>>
    %dma_start3A_249 = arith.constant 0 : i32
    %dma_start3A_250 = tpu.memref_slice %arg4[%add3A_242, %dma_start3A_249] : memref<204800x128xf32, #tpu.memory_space<hbm>> -> memref<80x128xf32, #tpu.memory_space<hbm>>
    %dma_start3A_251 = arith.constant 0 : i32
    %dma_start3A_252 = tpu.memref_slice %arg4[%add3A_242, %dma_start3A_251] : memref<204800x128xf32, #tpu.memory_space<hbm>> -> memref<80x128xf32, #tpu.memory_space<hbm>>
    %dma_start3A_253 = arith.constant 0 : i32
    %dma_start3A_254 = arith.constant 0 : i32
    %dma_start3A_255 = tpu.memref_slice %arg6[%dma_start3A_243, %dma_start3A_244, %dma_start3A_253, %dma_start3A_254] : memref<2x4x80x128xf32, #tpu.memory_space<vmem>> -> memref<1x1x80x128xf32, #tpu.memory_space<vmem>>
    %dma_start3A_256 = tpu.memref_squeeze %dma_start3A_255 : memref<1x1x80x128xf32, #tpu.memory_space<vmem>> -> memref<80x128xf32, #tpu.memory_space<vmem>>
    tpu.enqueue_dma source(%dma_start3A_256 : memref<80x128xf32, #tpu.memory_space<vmem>>) target(%dma_start3A_252 : memref<80x128xf32, #tpu.memory_space<hbm>>) target_semaphore(%arg9 : memref<!tpu.dma_semaphore, #tpu.memory_space<semaphore_mem>>)
    %add3A_257 = arith.constant 400 : i32
    %add3A_258 = arith.addi %mul3A_2, %add3A_257 : i32
    %dma_start3A_259 = arith.constant 1 : i32
    %dma_start3A_260 = arith.constant 1 : i32
    %dma_start3A_261 = arith.constant 0 : i32
    %dma_start3A_262 = arith.constant 0 : i32
    %dma_start3A_263 = tpu.memref_slice %arg6[%dma_start3A_259, %dma_start3A_260, %dma_start3A_261, %dma_start3A_262] : memref<2x4x80x128xf32, #tpu.memory_space<vmem>> -> memref<1x1x80x128xf32, #tpu.memory_space<vmem>>
    %dma_start3A_264 = tpu.memref_squeeze %dma_start3A_263 : memref<1x1x80x128xf32, #tpu.memory_space<vmem>> -> memref<80x128xf32, #tpu.memory_space<vmem>>
    %dma_start3A_265 = arith.constant 0 : i32
    %dma_start3A_266 = tpu.memref_slice %arg4[%add3A_258, %dma_start3A_265] : memref<204800x128xf32, #tpu.memory_space<hbm>> -> memref<80x128xf32, #tpu.memory_space<hbm>>
    %dma_start3A_267 = arith.constant 0 : i32
    %dma_start3A_268 = tpu.memref_slice %arg4[%add3A_258, %dma_start3A_267] : memref<204800x128xf32, #tpu.memory_space<hbm>> -> memref<80x128xf32, #tpu.memory_space<hbm>>
    %dma_start3A_269 = arith.constant 0 : i32
    %dma_start3A_270 = arith.constant 0 : i32
    %dma_start3A_271 = tpu.memref_slice %arg6[%dma_start3A_259, %dma_start3A_260, %dma_start3A_269, %dma_start3A_270] : memref<2x4x80x128xf32, #tpu.memory_space<vmem>> -> memref<1x1x80x128xf32, #tpu.memory_space<vmem>>
    %dma_start3A_272 = tpu.memref_squeeze %dma_start3A_271 : memref<1x1x80x128xf32, #tpu.memory_space<vmem>> -> memref<80x128xf32, #tpu.memory_space<vmem>>
    tpu.enqueue_dma source(%dma_start3A_272 : memref<80x128xf32, #tpu.memory_space<vmem>>) target(%dma_start3A_268 : memref<80x128xf32, #tpu.memory_space<hbm>>) target_semaphore(%arg9 : memref<!tpu.dma_semaphore, #tpu.memory_space<semaphore_mem>>)
    %add3A_273 = arith.constant 480 : i32
    %add3A_274 = arith.addi %mul3A_2, %add3A_273 : i32
    %dma_start3A_275 = arith.constant 1 : i32
    %dma_start3A_276 = arith.constant 2 : i32
    %dma_start3A_277 = arith.constant 0 : i32
    %dma_start3A_278 = arith.constant 0 : i32
    %dma_start3A_279 = tpu.memref_slice %arg6[%dma_start3A_275, %dma_start3A_276, %dma_start3A_277, %dma_start3A_278] : memref<2x4x80x128xf32, #tpu.memory_space<vmem>> -> memref<1x1x80x128xf32, #tpu.memory_space<vmem>>
    %dma_start3A_280 = tpu.memref_squeeze %dma_start3A_279 : memref<1x1x80x128xf32, #tpu.memory_space<vmem>> -> memref<80x128xf32, #tpu.memory_space<vmem>>
    %dma_start3A_281 = arith.constant 0 : i32
    %dma_start3A_282 = tpu.memref_slice %arg4[%add3A_274, %dma_start3A_281] : memref<204800x128xf32, #tpu.memory_space<hbm>> -> memref<80x128xf32, #tpu.memory_space<hbm>>
    %dma_start3A_283 = arith.constant 0 : i32
    %dma_start3A_284 = tpu.memref_slice %arg4[%add3A_274, %dma_start3A_283] : memref<204800x128xf32, #tpu.memory_space<hbm>> -> memref<80x128xf32, #tpu.memory_space<hbm>>
    %dma_start3A_285 = arith.constant 0 : i32
    %dma_start3A_286 = arith.constant 0 : i32
    %dma_start3A_287 = tpu.memref_slice %arg6[%dma_start3A_275, %dma_start3A_276, %dma_start3A_285, %dma_start3A_286] : memref<2x4x80x128xf32, #tpu.memory_space<vmem>> -> memref<1x1x80x128xf32, #tpu.memory_space<vmem>>
    %dma_start3A_288 = tpu.memref_squeeze %dma_start3A_287 : memref<1x1x80x128xf32, #tpu.memory_space<vmem>> -> memref<80x128xf32, #tpu.memory_space<vmem>>
    tpu.enqueue_dma source(%dma_start3A_288 : memref<80x128xf32, #tpu.memory_space<vmem>>) target(%dma_start3A_284 : memref<80x128xf32, #tpu.memory_space<hbm>>) target_semaphore(%arg9 : memref<!tpu.dma_semaphore, #tpu.memory_space<semaphore_mem>>)
    %add3A_289 = arith.constant 560 : i32
    %add3A_290 = arith.addi %mul3A_2, %add3A_289 : i32
    %dma_start3A_291 = arith.constant 1 : i32
    %dma_start3A_292 = arith.constant 3 : i32
    %dma_start3A_293 = arith.constant 0 : i32
    %dma_start3A_294 = arith.constant 0 : i32
    %dma_start3A_295 = tpu.memref_slice %arg6[%dma_start3A_291, %dma_start3A_292, %dma_start3A_293, %dma_start3A_294] : memref<2x4x80x128xf32, #tpu.memory_space<vmem>> -> memref<1x1x80x128xf32, #tpu.memory_space<vmem>>
    %dma_start3A_296 = tpu.memref_squeeze %dma_start3A_295 : memref<1x1x80x128xf32, #tpu.memory_space<vmem>> -> memref<80x128xf32, #tpu.memory_space<vmem>>
    %dma_start3A_297 = arith.constant 0 : i32
    %dma_start3A_298 = tpu.memref_slice %arg4[%add3A_290, %dma_start3A_297] : memref<204800x128xf32, #tpu.memory_space<hbm>> -> memref<80x128xf32, #tpu.memory_space<hbm>>
    %dma_start3A_299 = arith.constant 0 : i32
    %dma_start3A_300 = tpu.memref_slice %arg4[%add3A_290, %dma_start3A_299] : memref<204800x128xf32, #tpu.memory_space<hbm>> -> memref<80x128xf32, #tpu.memory_space<hbm>>
    %dma_start3A_301 = arith.constant 0 : i32
    %dma_start3A_302 = arith.constant 0 : i32
    %dma_start3A_303 = tpu.memref_slice %arg6[%dma_start3A_291, %dma_start3A_292, %dma_start3A_301, %dma_start3A_302] : memref<2x4x80x128xf32, #tpu.memory_space<vmem>> -> memref<1x1x80x128xf32, #tpu.memory_space<vmem>>
    %dma_start3A_304 = tpu.memref_squeeze %dma_start3A_303 : memref<1x1x80x128xf32, #tpu.memory_space<vmem>> -> memref<80x128xf32, #tpu.memory_space<vmem>>
    tpu.enqueue_dma source(%dma_start3A_304 : memref<80x128xf32, #tpu.memory_space<vmem>>) target(%dma_start3A_300 : memref<80x128xf32, #tpu.memory_space<hbm>>) target_semaphore(%arg9 : memref<!tpu.dma_semaphore, #tpu.memory_space<semaphore_mem>>)
    %scan3A = arith.constant 0 : i32
    %scan3A_305 = arith.constant 0 : i32
    %scan3A_306 = arith.constant 9 : i32
    %scan3A_307 = arith.addi %scan3A_305, %scan3A_306 : i32
    %scan3A_308 = arith.constant 1 : i32
    scf.for %scan3A_422 = %scan3A_305 to %scan3A_307 step %scan3A_308  : i32 {
      %mul3A_423 = arith.constant 2 : i32
      %mul3A_424 = arith.muli %mul3A_423, %scan3A_422 : i32
      %add3A_425 = arith.constant 2 : i32
      %add3A_426 = arith.addi %add3A_425, %mul3A_424 : i32
      %dma_wait3A_427 = arith.constant 0 : i32
      %dma_wait3A_428 = arith.constant 0 : i32
      %dma_wait3A_429 = arith.constant 0 : i32
      %dma_wait3A_430 = arith.constant 0 : i32
      %dma_wait3A_431 = tpu.memref_slice %arg6[%dma_wait3A_427, %dma_wait3A_428, %dma_wait3A_429, %dma_wait3A_430] : memref<2x4x80x128xf32, #tpu.memory_space<vmem>> -> memref<1x1x80x128xf32, #tpu.memory_space<vmem>>
      %dma_wait3A_432 = tpu.memref_squeeze %dma_wait3A_431 : memref<1x1x80x128xf32, #tpu.memory_space<vmem>> -> memref<80x128xf32, #tpu.memory_space<vmem>>
      %dma_wait3A_433 = arith.constant 0 : i32
      %dma_wait3A_434 = tpu.memref_slice %arg4[%mul3A_2, %dma_wait3A_433] : memref<204800x128xf32, #tpu.memory_space<hbm>> -> memref<80x128xf32, #tpu.memory_space<hbm>>
      %dma_wait3A_435 = arith.constant 0 : i32
      %dma_wait3A_436 = tpu.memref_slice %arg4[%mul3A_2, %dma_wait3A_435] : memref<204800x128xf32, #tpu.memory_space<hbm>> -> memref<80x128xf32, #tpu.memory_space<hbm>>
      %dma_wait3A_437 = arith.constant 0 : i32
      %dma_wait3A_438 = arith.constant 0 : i32
      %dma_wait3A_439 = tpu.memref_slice %arg6[%dma_wait3A_427, %dma_wait3A_428, %dma_wait3A_437, %dma_wait3A_438] : memref<2x4x80x128xf32, #tpu.memory_space<vmem>> -> memref<1x1x80x128xf32, #tpu.memory_space<vmem>>
      %dma_wait3A_440 = tpu.memref_squeeze %dma_wait3A_439 : memref<1x1x80x128xf32, #tpu.memory_space<vmem>> -> memref<80x128xf32, #tpu.memory_space<vmem>>
      tpu.wait_dma2 semaphore(%arg8 : memref<!tpu.dma_semaphore, #tpu.memory_space<semaphore_mem>>) src(%dma_wait3A_440 : memref<80x128xf32, #tpu.memory_space<vmem>>) dst(%dma_wait3A_436 : memref<80x128xf32, #tpu.memory_space<hbm>>)
      %dma_wait3A_441 = arith.constant 0 : i32
      %dma_wait3A_442 = arith.constant 1 : i32
      %dma_wait3A_443 = arith.constant 0 : i32
      %dma_wait3A_444 = arith.constant 0 : i32
      %dma_wait3A_445 = tpu.memref_slice %arg6[%dma_wait3A_441, %dma_wait3A_442, %dma_wait3A_443, %dma_wait3A_444] : memref<2x4x80x128xf32, #tpu.memory_space<vmem>> -> memref<1x1x80x128xf32, #tpu.memory_space<vmem>>
      %dma_wait3A_446 = tpu.memref_squeeze %dma_wait3A_445 : memref<1x1x80x128xf32, #tpu.memory_space<vmem>> -> memref<80x128xf32, #tpu.memory_space<vmem>>
      %dma_wait3A_447 = arith.constant 0 : i32
      %dma_wait3A_448 = tpu.memref_slice %arg4[%mul3A_2, %dma_wait3A_447] : memref<204800x128xf32, #tpu.memory_space<hbm>> -> memref<80x128xf32, #tpu.memory_space<hbm>>
      %dma_wait3A_449 = arith.constant 0 : i32
      %dma_wait3A_450 = tpu.memref_slice %arg4[%mul3A_2, %dma_wait3A_449] : memref<204800x128xf32, #tpu.memory_space<hbm>> -> memref<80x128xf32, #tpu.memory_space<hbm>>
      %dma_wait3A_451 = arith.constant 0 : i32
      %dma_wait3A_452 = arith.constant 0 : i32
      %dma_wait3A_453 = tpu.memref_slice %arg6[%dma_wait3A_441, %dma_wait3A_442, %dma_wait3A_451, %dma_wait3A_452] : memref<2x4x80x128xf32, #tpu.memory_space<vmem>> -> memref<1x1x80x128xf32, #tpu.memory_space<vmem>>
      %dma_wait3A_454 = tpu.memref_squeeze %dma_wait3A_453 : memref<1x1x80x128xf32, #tpu.memory_space<vmem>> -> memref<80x128xf32, #tpu.memory_space<vmem>>
      tpu.wait_dma2 semaphore(%arg8 : memref<!tpu.dma_semaphore, #tpu.memory_space<semaphore_mem>>) src(%dma_wait3A_454 : memref<80x128xf32, #tpu.memory_space<vmem>>) dst(%dma_wait3A_450 : memref<80x128xf32, #tpu.memory_space<hbm>>)
      %dma_wait3A_455 = arith.constant 0 : i32
      %dma_wait3A_456 = arith.constant 2 : i32
      %dma_wait3A_457 = arith.constant 0 : i32
      %dma_wait3A_458 = arith.constant 0 : i32
      %dma_wait3A_459 = tpu.memref_slice %arg6[%dma_wait3A_455, %dma_wait3A_456, %dma_wait3A_457, %dma_wait3A_458] : memref<2x4x80x128xf32, #tpu.memory_space<vmem>> -> memref<1x1x80x128xf32, #tpu.memory_space<vmem>>
      %dma_wait3A_460 = tpu.memref_squeeze %dma_wait3A_459 : memref<1x1x80x128xf32, #tpu.memory_space<vmem>> -> memref<80x128xf32, #tpu.memory_space<vmem>>
      %dma_wait3A_461 = arith.constant 0 : i32
      %dma_wait3A_462 = tpu.memref_slice %arg4[%mul3A_2, %dma_wait3A_461] : memref<204800x128xf32, #tpu.memory_space<hbm>> -> memref<80x128xf32, #tpu.memory_space<hbm>>
      %dma_wait3A_463 = arith.constant 0 : i32
      %dma_wait3A_464 = tpu.memref_slice %arg4[%mul3A_2, %dma_wait3A_463] : memref<204800x128xf32, #tpu.memory_space<hbm>> -> memref<80x128xf32, #tpu.memory_space<hbm>>
      %dma_wait3A_465 = arith.constant 0 : i32
      %dma_wait3A_466 = arith.constant 0 : i32
      %dma_wait3A_467 = tpu.memref_slice %arg6[%dma_wait3A_455, %dma_wait3A_456, %dma_wait3A_465, %dma_wait3A_466] : memref<2x4x80x128xf32, #tpu.memory_space<vmem>> -> memref<1x1x80x128xf32, #tpu.memory_space<vmem>>
      %dma_wait3A_468 = tpu.memref_squeeze %dma_wait3A_467 : memref<1x1x80x128xf32, #tpu.memory_space<vmem>> -> memref<80x128xf32, #tpu.memory_space<vmem>>
      tpu.wait_dma2 semaphore(%arg8 : memref<!tpu.dma_semaphore, #tpu.memory_space<semaphore_mem>>) src(%dma_wait3A_468 : memref<80x128xf32, #tpu.memory_space<vmem>>) dst(%dma_wait3A_464 : memref<80x128xf32, #tpu.memory_space<hbm>>)
      %dma_wait3A_469 = arith.constant 0 : i32
      %dma_wait3A_470 = arith.constant 3 : i32
      %dma_wait3A_471 = arith.constant 0 : i32
      %dma_wait3A_472 = arith.constant 0 : i32
      %dma_wait3A_473 = tpu.memref_slice %arg6[%dma_wait3A_469, %dma_wait3A_470, %dma_wait3A_471, %dma_wait3A_472] : memref<2x4x80x128xf32, #tpu.memory_space<vmem>> -> memref<1x1x80x128xf32, #tpu.memory_space<vmem>>
      %dma_wait3A_474 = tpu.memref_squeeze %dma_wait3A_473 : memref<1x1x80x128xf32, #tpu.memory_space<vmem>> -> memref<80x128xf32, #tpu.memory_space<vmem>>
      %dma_wait3A_475 = arith.constant 0 : i32
      %dma_wait3A_476 = tpu.memref_slice %arg4[%mul3A_2, %dma_wait3A_475] : memref<204800x128xf32, #tpu.memory_space<hbm>> -> memref<80x128xf32, #tpu.memory_space<hbm>>
      %dma_wait3A_477 = arith.constant 0 : i32
      %dma_wait3A_478 = tpu.memref_slice %arg4[%mul3A_2, %dma_wait3A_477] : memref<204800x128xf32, #tpu.memory_space<hbm>> -> memref<80x128xf32, #tpu.memory_space<hbm>>
      %dma_wait3A_479 = arith.constant 0 : i32
      %dma_wait3A_480 = arith.constant 0 : i32
      %dma_wait3A_481 = tpu.memref_slice %arg6[%dma_wait3A_469, %dma_wait3A_470, %dma_wait3A_479, %dma_wait3A_480] : memref<2x4x80x128xf32, #tpu.memory_space<vmem>> -> memref<1x1x80x128xf32, #tpu.memory_space<vmem>>
      %dma_wait3A_482 = tpu.memref_squeeze %dma_wait3A_481 : memref<1x1x80x128xf32, #tpu.memory_space<vmem>> -> memref<80x128xf32, #tpu.memory_space<vmem>>
      tpu.wait_dma2 semaphore(%arg8 : memref<!tpu.dma_semaphore, #tpu.memory_space<semaphore_mem>>) src(%dma_wait3A_482 : memref<80x128xf32, #tpu.memory_space<vmem>>) dst(%dma_wait3A_478 : memref<80x128xf32, #tpu.memory_space<hbm>>)
      %mul3A_483 = arith.constant 4 : i32
      %mul3A_484 = arith.muli %add3A_426, %mul3A_483 : i32
      %add3A_485 = arith.constant 0 : i32
      %add3A_486 = arith.addi %mul3A_484, %add3A_485 : i32
      %mul3A_487 = arith.constant 80 : i32
      %mul3A_488 = arith.muli %add3A_486, %mul3A_487 : i32
      %dma_start3A_489 = arith.constant 0 : i32
      %dma_start3A_490 = arith.constant 0 : i32
      %dma_start3A_491 = arith.constant 0 : i32
      %dma_start3A_492 = arith.constant 0 : i32
      %dma_start3A_493 = tpu.memref_slice %arg6[%dma_start3A_489, %dma_start3A_490, %dma_start3A_491, %dma_start3A_492] : memref<2x4x80x128xf32, #tpu.memory_space<vmem>> -> memref<1x1x80x128xf32, #tpu.memory_space<vmem>>
      %dma_start3A_494 = tpu.memref_squeeze %dma_start3A_493 : memref<1x1x80x128xf32, #tpu.memory_space<vmem>> -> memref<80x128xf32, #tpu.memory_space<vmem>>
      %dma_start3A_495 = tpu.memref_slice %arg5[%mul3A_488] : memref<6400xi32, #tpu.memory_space<vmem>> -> memref<80xi32, #tpu.memory_space<vmem>>
      %dma_start3A_496 = arith.constant 0 : i32
      %dma_start3A_497 = arith.constant 0 : i32
      %dma_start3A_498 = tpu.memref_slice %arg3[%dma_start3A_496, %dma_start3A_497] : memref<100000x128xf32, #tpu.memory_space<hbm>> -> memref<100000x128xf32, #tpu.memory_space<hbm>>
      tpu.enqueue_indirect_dma source(%dma_start3A_498 : memref<100000x128xf32, #tpu.memory_space<hbm>>) target(%dma_start3A_494 : memref<80x128xf32, #tpu.memory_space<vmem>>) offsets(%dma_start3A_495 : memref<80xi32, #tpu.memory_space<vmem>>) semaphore(%arg7 : memref<!tpu.dma_semaphore, #tpu.memory_space<semaphore_mem>>)
      %mul3A_499 = arith.constant 4 : i32
      %mul3A_500 = arith.muli %add3A_426, %mul3A_499 : i32
      %add3A_501 = arith.constant 1 : i32
      %add3A_502 = arith.addi %mul3A_500, %add3A_501 : i32
      %mul3A_503 = arith.constant 80 : i32
      %mul3A_504 = arith.muli %add3A_502, %mul3A_503 : i32
      %dma_start3A_505 = arith.constant 0 : i32
      %dma_start3A_506 = arith.constant 1 : i32
      %dma_start3A_507 = arith.constant 0 : i32
      %dma_start3A_508 = arith.constant 0 : i32
      %dma_start3A_509 = tpu.memref_slice %arg6[%dma_start3A_505, %dma_start3A_506, %dma_start3A_507, %dma_start3A_508] : memref<2x4x80x128xf32, #tpu.memory_space<vmem>> -> memref<1x1x80x128xf32, #tpu.memory_space<vmem>>
      %dma_start3A_510 = tpu.memref_squeeze %dma_start3A_509 : memref<1x1x80x128xf32, #tpu.memory_space<vmem>> -> memref<80x128xf32, #tpu.memory_space<vmem>>
      %dma_start3A_511 = tpu.memref_slice %arg5[%mul3A_504] : memref<6400xi32, #tpu.memory_space<vmem>> -> memref<80xi32, #tpu.memory_space<vmem>>
      %dma_start3A_512 = arith.constant 0 : i32
      %dma_start3A_513 = arith.constant 0 : i32
      %dma_start3A_514 = tpu.memref_slice %arg3[%dma_start3A_512, %dma_start3A_513] : memref<100000x128xf32, #tpu.memory_space<hbm>> -> memref<100000x128xf32, #tpu.memory_space<hbm>>
      tpu.enqueue_indirect_dma source(%dma_start3A_514 : memref<100000x128xf32, #tpu.memory_space<hbm>>) target(%dma_start3A_510 : memref<80x128xf32, #tpu.memory_space<vmem>>) offsets(%dma_start3A_511 : memref<80xi32, #tpu.memory_space<vmem>>) semaphore(%arg7 : memref<!tpu.dma_semaphore, #tpu.memory_space<semaphore_mem>>)
      %mul3A_515 = arith.constant 4 : i32
      %mul3A_516 = arith.muli %add3A_426, %mul3A_515 : i32
      %add3A_517 = arith.constant 2 : i32
      %add3A_518 = arith.addi %mul3A_516, %add3A_517 : i32
      %mul3A_519 = arith.constant 80 : i32
      %mul3A_520 = arith.muli %add3A_518, %mul3A_519 : i32
      %dma_start3A_521 = arith.constant 0 : i32
      %dma_start3A_522 = arith.constant 2 : i32
      %dma_start3A_523 = arith.constant 0 : i32
      %dma_start3A_524 = arith.constant 0 : i32
      %dma_start3A_525 = tpu.memref_slice %arg6[%dma_start3A_521, %dma_start3A_522, %dma_start3A_523, %dma_start3A_524] : memref<2x4x80x128xf32, #tpu.memory_space<vmem>> -> memref<1x1x80x128xf32, #tpu.memory_space<vmem>>
      %dma_start3A_526 = tpu.memref_squeeze %dma_start3A_525 : memref<1x1x80x128xf32, #tpu.memory_space<vmem>> -> memref<80x128xf32, #tpu.memory_space<vmem>>
      %dma_start3A_527 = tpu.memref_slice %arg5[%mul3A_520] : memref<6400xi32, #tpu.memory_space<vmem>> -> memref<80xi32, #tpu.memory_space<vmem>>
      %dma_start3A_528 = arith.constant 0 : i32
      %dma_start3A_529 = arith.constant 0 : i32
      %dma_start3A_530 = tpu.memref_slice %arg3[%dma_start3A_528, %dma_start3A_529] : memref<100000x128xf32, #tpu.memory_space<hbm>> -> memref<100000x128xf32, #tpu.memory_space<hbm>>
      tpu.enqueue_indirect_dma source(%dma_start3A_530 : memref<100000x128xf32, #tpu.memory_space<hbm>>) target(%dma_start3A_526 : memref<80x128xf32, #tpu.memory_space<vmem>>) offsets(%dma_start3A_527 : memref<80xi32, #tpu.memory_space<vmem>>) semaphore(%arg7 : memref<!tpu.dma_semaphore, #tpu.memory_space<semaphore_mem>>)
      %mul3A_531 = arith.constant 4 : i32
      %mul3A_532 = arith.muli %add3A_426, %mul3A_531 : i32
      %add3A_533 = arith.constant 3 : i32
      %add3A_534 = arith.addi %mul3A_532, %add3A_533 : i32
      %mul3A_535 = arith.constant 80 : i32
      %mul3A_536 = arith.muli %add3A_534, %mul3A_535 : i32
      %dma_start3A_537 = arith.constant 0 : i32
      %dma_start3A_538 = arith.constant 3 : i32
      %dma_start3A_539 = arith.constant 0 : i32
      %dma_start3A_540 = arith.constant 0 : i32
      %dma_start3A_541 = tpu.memref_slice %arg6[%dma_start3A_537, %dma_start3A_538, %dma_start3A_539, %dma_start3A_540] : memref<2x4x80x128xf32, #tpu.memory_space<vmem>> -> memref<1x1x80x128xf32, #tpu.memory_space<vmem>>
      %dma_start3A_542 = tpu.memref_squeeze %dma_start3A_541 : memref<1x1x80x128xf32, #tpu.memory_space<vmem>> -> memref<80x128xf32, #tpu.memory_space<vmem>>
      %dma_start3A_543 = tpu.memref_slice %arg5[%mul3A_536] : memref<6400xi32, #tpu.memory_space<vmem>> -> memref<80xi32, #tpu.memory_space<vmem>>
      %dma_start3A_544 = arith.constant 0 : i32
      %dma_start3A_545 = arith.constant 0 : i32
      %dma_start3A_546 = tpu.memref_slice %arg3[%dma_start3A_544, %dma_start3A_545] : memref<100000x128xf32, #tpu.memory_space<hbm>> -> memref<100000x128xf32, #tpu.memory_space<hbm>>
      tpu.enqueue_indirect_dma source(%dma_start3A_546 : memref<100000x128xf32, #tpu.memory_space<hbm>>) target(%dma_start3A_542 : memref<80x128xf32, #tpu.memory_space<vmem>>) offsets(%dma_start3A_543 : memref<80xi32, #tpu.memory_space<vmem>>) semaphore(%arg7 : memref<!tpu.dma_semaphore, #tpu.memory_space<semaphore_mem>>)
      %dma_wait3A_547 = arith.constant 0 : i32
      %dma_wait3A_548 = arith.constant 0 : i32
      %dma_wait3A_549 = arith.constant 0 : i32
      %dma_wait3A_550 = arith.constant 0 : i32
      %dma_wait3A_551 = tpu.memref_slice %arg6[%dma_wait3A_547, %dma_wait3A_548, %dma_wait3A_549, %dma_wait3A_550] : memref<2x4x80x128xf32, #tpu.memory_space<vmem>> -> memref<1x1x80x128xf32, #tpu.memory_space<vmem>>
      %dma_wait3A_552 = tpu.memref_squeeze %dma_wait3A_551 : memref<1x1x80x128xf32, #tpu.memory_space<vmem>> -> memref<80x128xf32, #tpu.memory_space<vmem>>
      %dma_wait3A_553 = tpu.memref_slice %arg5[%mul3A_488] : memref<6400xi32, #tpu.memory_space<vmem>> -> memref<80xi32, #tpu.memory_space<vmem>>
      %dma_wait3A_554 = arith.constant 0 : i32
      %dma_wait3A_555 = arith.constant 0 : i32
      %dma_wait3A_556 = tpu.memref_slice %arg3[%dma_wait3A_554, %dma_wait3A_555] : memref<100000x128xf32, #tpu.memory_space<hbm>> -> memref<100000x128xf32, #tpu.memory_space<hbm>>
      tpu.wait_indirect_dma semaphore(%arg7 : memref<!tpu.dma_semaphore, #tpu.memory_space<semaphore_mem>>) src(%dma_wait3A_556 : memref<100000x128xf32, #tpu.memory_space<hbm>>) dst(%dma_wait3A_552 : memref<80x128xf32, #tpu.memory_space<vmem>>)
      %dma_wait3A_557 = arith.constant 0 : i32
      %dma_wait3A_558 = arith.constant 1 : i32
      %dma_wait3A_559 = arith.constant 0 : i32
      %dma_wait3A_560 = arith.constant 0 : i32
      %dma_wait3A_561 = tpu.memref_slice %arg6[%dma_wait3A_557, %dma_wait3A_558, %dma_wait3A_559, %dma_wait3A_560] : memref<2x4x80x128xf32, #tpu.memory_space<vmem>> -> memref<1x1x80x128xf32, #tpu.memory_space<vmem>>
      %dma_wait3A_562 = tpu.memref_squeeze %dma_wait3A_561 : memref<1x1x80x128xf32, #tpu.memory_space<vmem>> -> memref<80x128xf32, #tpu.memory_space<vmem>>
      %dma_wait3A_563 = tpu.memref_slice %arg5[%mul3A_504] : memref<6400xi32, #tpu.memory_space<vmem>> -> memref<80xi32, #tpu.memory_space<vmem>>
      %dma_wait3A_564 = arith.constant 0 : i32
      %dma_wait3A_565 = arith.constant 0 : i32
      %dma_wait3A_566 = tpu.memref_slice %arg3[%dma_wait3A_564, %dma_wait3A_565] : memref<100000x128xf32, #tpu.memory_space<hbm>> -> memref<100000x128xf32, #tpu.memory_space<hbm>>
      tpu.wait_indirect_dma semaphore(%arg7 : memref<!tpu.dma_semaphore, #tpu.memory_space<semaphore_mem>>) src(%dma_wait3A_566 : memref<100000x128xf32, #tpu.memory_space<hbm>>) dst(%dma_wait3A_562 : memref<80x128xf32, #tpu.memory_space<vmem>>)
      %dma_wait3A_567 = arith.constant 0 : i32
      %dma_wait3A_568 = arith.constant 2 : i32
      %dma_wait3A_569 = arith.constant 0 : i32
      %dma_wait3A_570 = arith.constant 0 : i32
      %dma_wait3A_571 = tpu.memref_slice %arg6[%dma_wait3A_567, %dma_wait3A_568, %dma_wait3A_569, %dma_wait3A_570] : memref<2x4x80x128xf32, #tpu.memory_space<vmem>> -> memref<1x1x80x128xf32, #tpu.memory_space<vmem>>
      %dma_wait3A_572 = tpu.memref_squeeze %dma_wait3A_571 : memref<1x1x80x128xf32, #tpu.memory_space<vmem>> -> memref<80x128xf32, #tpu.memory_space<vmem>>
      %dma_wait3A_573 = tpu.memref_slice %arg5[%mul3A_520] : memref<6400xi32, #tpu.memory_space<vmem>> -> memref<80xi32, #tpu.memory_space<vmem>>
      %dma_wait3A_574 = arith.constant 0 : i32
      %dma_wait3A_575 = arith.constant 0 : i32
      %dma_wait3A_576 = tpu.memref_slice %arg3[%dma_wait3A_574, %dma_wait3A_575] : memref<100000x128xf32, #tpu.memory_space<hbm>> -> memref<100000x128xf32, #tpu.memory_space<hbm>>
      tpu.wait_indirect_dma semaphore(%arg7 : memref<!tpu.dma_semaphore, #tpu.memory_space<semaphore_mem>>) src(%dma_wait3A_576 : memref<100000x128xf32, #tpu.memory_space<hbm>>) dst(%dma_wait3A_572 : memref<80x128xf32, #tpu.memory_space<vmem>>)
      %dma_wait3A_577 = arith.constant 0 : i32
      %dma_wait3A_578 = arith.constant 3 : i32
      %dma_wait3A_579 = arith.constant 0 : i32
      %dma_wait3A_580 = arith.constant 0 : i32
      %dma_wait3A_581 = tpu.memref_slice %arg6[%dma_wait3A_577, %dma_wait3A_578, %dma_wait3A_579, %dma_wait3A_580] : memref<2x4x80x128xf32, #tpu.memory_space<vmem>> -> memref<1x1x80x128xf32, #tpu.memory_space<vmem>>
      %dma_wait3A_582 = tpu.memref_squeeze %dma_wait3A_581 : memref<1x1x80x128xf32, #tpu.memory_space<vmem>> -> memref<80x128xf32, #tpu.memory_space<vmem>>
      %dma_wait3A_583 = tpu.memref_slice %arg5[%mul3A_536] : memref<6400xi32, #tpu.memory_space<vmem>> -> memref<80xi32, #tpu.memory_space<vmem>>
      %dma_wait3A_584 = arith.constant 0 : i32
      %dma_wait3A_585 = arith.constant 0 : i32
      %dma_wait3A_586 = tpu.memref_slice %arg3[%dma_wait3A_584, %dma_wait3A_585] : memref<100000x128xf32, #tpu.memory_space<hbm>> -> memref<100000x128xf32, #tpu.memory_space<hbm>>
      tpu.wait_indirect_dma semaphore(%arg7 : memref<!tpu.dma_semaphore, #tpu.memory_space<semaphore_mem>>) src(%dma_wait3A_586 : memref<100000x128xf32, #tpu.memory_space<hbm>>) dst(%dma_wait3A_582 : memref<80x128xf32, #tpu.memory_space<vmem>>)
      %mul3A_587 = arith.constant 4 : i32
      %mul3A_588 = arith.muli %add3A_426, %mul3A_587 : i32
      %add3A_589 = arith.constant 0 : i32
      %add3A_590 = arith.addi %mul3A_588, %add3A_589 : i32
      %mul3A_591 = arith.constant 80 : i32
      %mul3A_592 = arith.muli %add3A_590, %mul3A_591 : i32
      %add3A_593 = arith.addi %mul3A_2, %mul3A_592 : i32
      %dma_start3A_594 = arith.constant 0 : i32
      %dma_start3A_595 = arith.constant 0 : i32
      %dma_start3A_596 = arith.constant 0 : i32
      %dma_start3A_597 = arith.constant 0 : i32
      %dma_start3A_598 = tpu.memref_slice %arg6[%dma_start3A_594, %dma_start3A_595, %dma_start3A_596, %dma_start3A_597] : memref<2x4x80x128xf32, #tpu.memory_space<vmem>> -> memref<1x1x80x128xf32, #tpu.memory_space<vmem>>
      %dma_start3A_599 = tpu.memref_squeeze %dma_start3A_598 : memref<1x1x80x128xf32, #tpu.memory_space<vmem>> -> memref<80x128xf32, #tpu.memory_space<vmem>>
      %dma_start3A_600 = arith.constant 0 : i32
      %dma_start3A_601 = tpu.memref_slice %arg4[%add3A_593, %dma_start3A_600] : memref<204800x128xf32, #tpu.memory_space<hbm>> -> memref<80x128xf32, #tpu.memory_space<hbm>>
      %dma_start3A_602 = arith.constant 0 : i32
      %dma_start3A_603 = tpu.memref_slice %arg4[%add3A_593, %dma_start3A_602] : memref<204800x128xf32, #tpu.memory_space<hbm>> -> memref<80x128xf32, #tpu.memory_space<hbm>>
      %dma_start3A_604 = arith.constant 0 : i32
      %dma_start3A_605 = arith.constant 0 : i32
      %dma_start3A_606 = tpu.memref_slice %arg6[%dma_start3A_594, %dma_start3A_595, %dma_start3A_604, %dma_start3A_605] : memref<2x4x80x128xf32, #tpu.memory_space<vmem>> -> memref<1x1x80x128xf32, #tpu.memory_space<vmem>>
      %dma_start3A_607 = tpu.memref_squeeze %dma_start3A_606 : memref<1x1x80x128xf32, #tpu.memory_space<vmem>> -> memref<80x128xf32, #tpu.memory_space<vmem>>
      tpu.enqueue_dma source(%dma_start3A_607 : memref<80x128xf32, #tpu.memory_space<vmem>>) target(%dma_start3A_603 : memref<80x128xf32, #tpu.memory_space<hbm>>) target_semaphore(%arg8 : memref<!tpu.dma_semaphore, #tpu.memory_space<semaphore_mem>>)
      %mul3A_608 = arith.constant 4 : i32
      %mul3A_609 = arith.muli %add3A_426, %mul3A_608 : i32
      %add3A_610 = arith.constant 1 : i32
      %add3A_611 = arith.addi %mul3A_609, %add3A_610 : i32
      %mul3A_612 = arith.constant 80 : i32
      %mul3A_613 = arith.muli %add3A_611, %mul3A_612 : i32
      %add3A_614 = arith.addi %mul3A_2, %mul3A_613 : i32
      %dma_start3A_615 = arith.constant 0 : i32
      %dma_start3A_616 = arith.constant 1 : i32
      %dma_start3A_617 = arith.constant 0 : i32
      %dma_start3A_618 = arith.constant 0 : i32
      %dma_start3A_619 = tpu.memref_slice %arg6[%dma_start3A_615, %dma_start3A_616, %dma_start3A_617, %dma_start3A_618] : memref<2x4x80x128xf32, #tpu.memory_space<vmem>> -> memref<1x1x80x128xf32, #tpu.memory_space<vmem>>
      %dma_start3A_620 = tpu.memref_squeeze %dma_start3A_619 : memref<1x1x80x128xf32, #tpu.memory_space<vmem>> -> memref<80x128xf32, #tpu.memory_space<vmem>>
      %dma_start3A_621 = arith.constant 0 : i32
      %dma_start3A_622 = tpu.memref_slice %arg4[%add3A_614, %dma_start3A_621] : memref<204800x128xf32, #tpu.memory_space<hbm>> -> memref<80x128xf32, #tpu.memory_space<hbm>>
      %dma_start3A_623 = arith.constant 0 : i32
      %dma_start3A_624 = tpu.memref_slice %arg4[%add3A_614, %dma_start3A_623] : memref<204800x128xf32, #tpu.memory_space<hbm>> -> memref<80x128xf32, #tpu.memory_space<hbm>>
      %dma_start3A_625 = arith.constant 0 : i32
      %dma_start3A_626 = arith.constant 0 : i32
      %dma_start3A_627 = tpu.memref_slice %arg6[%dma_start3A_615, %dma_start3A_616, %dma_start3A_625, %dma_start3A_626] : memref<2x4x80x128xf32, #tpu.memory_space<vmem>> -> memref<1x1x80x128xf32, #tpu.memory_space<vmem>>
      %dma_start3A_628 = tpu.memref_squeeze %dma_start3A_627 : memref<1x1x80x128xf32, #tpu.memory_space<vmem>> -> memref<80x128xf32, #tpu.memory_space<vmem>>
      tpu.enqueue_dma source(%dma_start3A_628 : memref<80x128xf32, #tpu.memory_space<vmem>>) target(%dma_start3A_624 : memref<80x128xf32, #tpu.memory_space<hbm>>) target_semaphore(%arg8 : memref<!tpu.dma_semaphore, #tpu.memory_space<semaphore_mem>>)
      %mul3A_629 = arith.constant 4 : i32
      %mul3A_630 = arith.muli %add3A_426, %mul3A_629 : i32
      %add3A_631 = arith.constant 2 : i32
      %add3A_632 = arith.addi %mul3A_630, %add3A_631 : i32
      %mul3A_633 = arith.constant 80 : i32
      %mul3A_634 = arith.muli %add3A_632, %mul3A_633 : i32
      %add3A_635 = arith.addi %mul3A_2, %mul3A_634 : i32
      %dma_start3A_636 = arith.constant 0 : i32
      %dma_start3A_637 = arith.constant 2 : i32
      %dma_start3A_638 = arith.constant 0 : i32
      %dma_start3A_639 = arith.constant 0 : i32
      %dma_start3A_640 = tpu.memref_slice %arg6[%dma_start3A_636, %dma_start3A_637, %dma_start3A_638, %dma_start3A_639] : memref<2x4x80x128xf32, #tpu.memory_space<vmem>> -> memref<1x1x80x128xf32, #tpu.memory_space<vmem>>
      %dma_start3A_641 = tpu.memref_squeeze %dma_start3A_640 : memref<1x1x80x128xf32, #tpu.memory_space<vmem>> -> memref<80x128xf32, #tpu.memory_space<vmem>>
      %dma_start3A_642 = arith.constant 0 : i32
      %dma_start3A_643 = tpu.memref_slice %arg4[%add3A_635, %dma_start3A_642] : memref<204800x128xf32, #tpu.memory_space<hbm>> -> memref<80x128xf32, #tpu.memory_space<hbm>>
      %dma_start3A_644 = arith.constant 0 : i32
      %dma_start3A_645 = tpu.memref_slice %arg4[%add3A_635, %dma_start3A_644] : memref<204800x128xf32, #tpu.memory_space<hbm>> -> memref<80x128xf32, #tpu.memory_space<hbm>>
      %dma_start3A_646 = arith.constant 0 : i32
      %dma_start3A_647 = arith.constant 0 : i32
      %dma_start3A_648 = tpu.memref_slice %arg6[%dma_start3A_636, %dma_start3A_637, %dma_start3A_646, %dma_start3A_647] : memref<2x4x80x128xf32, #tpu.memory_space<vmem>> -> memref<1x1x80x128xf32, #tpu.memory_space<vmem>>
      %dma_start3A_649 = tpu.memref_squeeze %dma_start3A_648 : memref<1x1x80x128xf32, #tpu.memory_space<vmem>> -> memref<80x128xf32, #tpu.memory_space<vmem>>
      tpu.enqueue_dma source(%dma_start3A_649 : memref<80x128xf32, #tpu.memory_space<vmem>>) target(%dma_start3A_645 : memref<80x128xf32, #tpu.memory_space<hbm>>) target_semaphore(%arg8 : memref<!tpu.dma_semaphore, #tpu.memory_space<semaphore_mem>>)
      %mul3A_650 = arith.constant 4 : i32
      %mul3A_651 = arith.muli %add3A_426, %mul3A_650 : i32
      %add3A_652 = arith.constant 3 : i32
      %add3A_653 = arith.addi %mul3A_651, %add3A_652 : i32
      %mul3A_654 = arith.constant 80 : i32
      %mul3A_655 = arith.muli %add3A_653, %mul3A_654 : i32
      %add3A_656 = arith.addi %mul3A_2, %mul3A_655 : i32
      %dma_start3A_657 = arith.constant 0 : i32
      %dma_start3A_658 = arith.constant 3 : i32
      %dma_start3A_659 = arith.constant 0 : i32
      %dma_start3A_660 = arith.constant 0 : i32
      %dma_start3A_661 = tpu.memref_slice %arg6[%dma_start3A_657, %dma_start3A_658, %dma_start3A_659, %dma_start3A_660] : memref<2x4x80x128xf32, #tpu.memory_space<vmem>> -> memref<1x1x80x128xf32, #tpu.memory_space<vmem>>
      %dma_start3A_662 = tpu.memref_squeeze %dma_start3A_661 : memref<1x1x80x128xf32, #tpu.memory_space<vmem>> -> memref<80x128xf32, #tpu.memory_space<vmem>>
      %dma_start3A_663 = arith.constant 0 : i32
      %dma_start3A_664 = tpu.memref_slice %arg4[%add3A_656, %dma_start3A_663] : memref<204800x128xf32, #tpu.memory_space<hbm>> -> memref<80x128xf32, #tpu.memory_space<hbm>>
      %dma_start3A_665 = arith.constant 0 : i32
      %dma_start3A_666 = tpu.memref_slice %arg4[%add3A_656, %dma_start3A_665] : memref<204800x128xf32, #tpu.memory_space<hbm>> -> memref<80x128xf32, #tpu.memory_space<hbm>>
      %dma_start3A_667 = arith.constant 0 : i32
      %dma_start3A_668 = arith.constant 0 : i32
      %dma_start3A_669 = tpu.memref_slice %arg6[%dma_start3A_657, %dma_start3A_658, %dma_start3A_667, %dma_start3A_668] : memref<2x4x80x128xf32, #tpu.memory_space<vmem>> -> memref<1x1x80x128xf32, #tpu.memory_space<vmem>>
      %dma_start3A_670 = tpu.memref_squeeze %dma_start3A_669 : memref<1x1x80x128xf32, #tpu.memory_space<vmem>> -> memref<80x128xf32, #tpu.memory_space<vmem>>
      tpu.enqueue_dma source(%dma_start3A_670 : memref<80x128xf32, #tpu.memory_space<vmem>>) target(%dma_start3A_666 : memref<80x128xf32, #tpu.memory_space<hbm>>) target_semaphore(%arg8 : memref<!tpu.dma_semaphore, #tpu.memory_space<semaphore_mem>>)
      %mul3A_671 = arith.constant 2 : i32
      %mul3A_672 = arith.muli %mul3A_671, %scan3A_422 : i32
      %add3A_673 = arith.constant 3 : i32
      %add3A_674 = arith.addi %add3A_673, %mul3A_672 : i32
      %dma_wait3A_675 = arith.constant 1 : i32
      %dma_wait3A_676 = arith.constant 0 : i32
      %dma_wait3A_677 = arith.constant 0 : i32
      %dma_wait3A_678 = arith.constant 0 : i32
      %dma_wait3A_679 = tpu.memref_slice %arg6[%dma_wait3A_675, %dma_wait3A_676, %dma_wait3A_677, %dma_wait3A_678] : memref<2x4x80x128xf32, #tpu.memory_space<vmem>> -> memref<1x1x80x128xf32, #tpu.memory_space<vmem>>
      %dma_wait3A_680 = tpu.memref_squeeze %dma_wait3A_679 : memref<1x1x80x128xf32, #tpu.memory_space<vmem>> -> memref<80x128xf32, #tpu.memory_space<vmem>>
      %dma_wait3A_681 = arith.constant 0 : i32
      %dma_wait3A_682 = tpu.memref_slice %arg4[%mul3A_2, %dma_wait3A_681] : memref<204800x128xf32, #tpu.memory_space<hbm>> -> memref<80x128xf32, #tpu.memory_space<hbm>>
      %dma_wait3A_683 = arith.constant 0 : i32
      %dma_wait3A_684 = tpu.memref_slice %arg4[%mul3A_2, %dma_wait3A_683] : memref<204800x128xf32, #tpu.memory_space<hbm>> -> memref<80x128xf32, #tpu.memory_space<hbm>>
      %dma_wait3A_685 = arith.constant 0 : i32
      %dma_wait3A_686 = arith.constant 0 : i32
      %dma_wait3A_687 = tpu.memref_slice %arg6[%dma_wait3A_675, %dma_wait3A_676, %dma_wait3A_685, %dma_wait3A_686] : memref<2x4x80x128xf32, #tpu.memory_space<vmem>> -> memref<1x1x80x128xf32, #tpu.memory_space<vmem>>
      %dma_wait3A_688 = tpu.memref_squeeze %dma_wait3A_687 : memref<1x1x80x128xf32, #tpu.memory_space<vmem>> -> memref<80x128xf32, #tpu.memory_space<vmem>>
      tpu.wait_dma2 semaphore(%arg9 : memref<!tpu.dma_semaphore, #tpu.memory_space<semaphore_mem>>) src(%dma_wait3A_688 : memref<80x128xf32, #tpu.memory_space<vmem>>) dst(%dma_wait3A_684 : memref<80x128xf32, #tpu.memory_space<hbm>>)
      %dma_wait3A_689 = arith.constant 1 : i32
      %dma_wait3A_690 = arith.constant 1 : i32
      %dma_wait3A_691 = arith.constant 0 : i32
      %dma_wait3A_692 = arith.constant 0 : i32
      %dma_wait3A_693 = tpu.memref_slice %arg6[%dma_wait3A_689, %dma_wait3A_690, %dma_wait3A_691, %dma_wait3A_692] : memref<2x4x80x128xf32, #tpu.memory_space<vmem>> -> memref<1x1x80x128xf32, #tpu.memory_space<vmem>>
      %dma_wait3A_694 = tpu.memref_squeeze %dma_wait3A_693 : memref<1x1x80x128xf32, #tpu.memory_space<vmem>> -> memref<80x128xf32, #tpu.memory_space<vmem>>
      %dma_wait3A_695 = arith.constant 0 : i32
      %dma_wait3A_696 = tpu.memref_slice %arg4[%mul3A_2, %dma_wait3A_695] : memref<204800x128xf32, #tpu.memory_space<hbm>> -> memref<80x128xf32, #tpu.memory_space<hbm>>
      %dma_wait3A_697 = arith.constant 0 : i32
      %dma_wait3A_698 = tpu.memref_slice %arg4[%mul3A_2, %dma_wait3A_697] : memref<204800x128xf32, #tpu.memory_space<hbm>> -> memref<80x128xf32, #tpu.memory_space<hbm>>
      %dma_wait3A_699 = arith.constant 0 : i32
      %dma_wait3A_700 = arith.constant 0 : i32
      %dma_wait3A_701 = tpu.memref_slice %arg6[%dma_wait3A_689, %dma_wait3A_690, %dma_wait3A_699, %dma_wait3A_700] : memref<2x4x80x128xf32, #tpu.memory_space<vmem>> -> memref<1x1x80x128xf32, #tpu.memory_space<vmem>>
      %dma_wait3A_702 = tpu.memref_squeeze %dma_wait3A_701 : memref<1x1x80x128xf32, #tpu.memory_space<vmem>> -> memref<80x128xf32, #tpu.memory_space<vmem>>
      tpu.wait_dma2 semaphore(%arg9 : memref<!tpu.dma_semaphore, #tpu.memory_space<semaphore_mem>>) src(%dma_wait3A_702 : memref<80x128xf32, #tpu.memory_space<vmem>>) dst(%dma_wait3A_698 : memref<80x128xf32, #tpu.memory_space<hbm>>)
      %dma_wait3A_703 = arith.constant 1 : i32
      %dma_wait3A_704 = arith.constant 2 : i32
      %dma_wait3A_705 = arith.constant 0 : i32
      %dma_wait3A_706 = arith.constant 0 : i32
      %dma_wait3A_707 = tpu.memref_slice %arg6[%dma_wait3A_703, %dma_wait3A_704, %dma_wait3A_705, %dma_wait3A_706] : memref<2x4x80x128xf32, #tpu.memory_space<vmem>> -> memref<1x1x80x128xf32, #tpu.memory_space<vmem>>
      %dma_wait3A_708 = tpu.memref_squeeze %dma_wait3A_707 : memref<1x1x80x128xf32, #tpu.memory_space<vmem>> -> memref<80x128xf32, #tpu.memory_space<vmem>>
      %dma_wait3A_709 = arith.constant 0 : i32
      %dma_wait3A_710 = tpu.memref_slice %arg4[%mul3A_2, %dma_wait3A_709] : memref<204800x128xf32, #tpu.memory_space<hbm>> -> memref<80x128xf32, #tpu.memory_space<hbm>>
      %dma_wait3A_711 = arith.constant 0 : i32
      %dma_wait3A_712 = tpu.memref_slice %arg4[%mul3A_2, %dma_wait3A_711] : memref<204800x128xf32, #tpu.memory_space<hbm>> -> memref<80x128xf32, #tpu.memory_space<hbm>>
      %dma_wait3A_713 = arith.constant 0 : i32
      %dma_wait3A_714 = arith.constant 0 : i32
      %dma_wait3A_715 = tpu.memref_slice %arg6[%dma_wait3A_703, %dma_wait3A_704, %dma_wait3A_713, %dma_wait3A_714] : memref<2x4x80x128xf32, #tpu.memory_space<vmem>> -> memref<1x1x80x128xf32, #tpu.memory_space<vmem>>
      %dma_wait3A_716 = tpu.memref_squeeze %dma_wait3A_715 : memref<1x1x80x128xf32, #tpu.memory_space<vmem>> -> memref<80x128xf32, #tpu.memory_space<vmem>>
      tpu.wait_dma2 semaphore(%arg9 : memref<!tpu.dma_semaphore, #tpu.memory_space<semaphore_mem>>) src(%dma_wait3A_716 : memref<80x128xf32, #tpu.memory_space<vmem>>) dst(%dma_wait3A_712 : memref<80x128xf32, #tpu.memory_space<hbm>>)
      %dma_wait3A_717 = arith.constant 1 : i32
      %dma_wait3A_718 = arith.constant 3 : i32
      %dma_wait3A_719 = arith.constant 0 : i32
      %dma_wait3A_720 = arith.constant 0 : i32
      %dma_wait3A_721 = tpu.memref_slice %arg6[%dma_wait3A_717, %dma_wait3A_718, %dma_wait3A_719, %dma_wait3A_720] : memref<2x4x80x128xf32, #tpu.memory_space<vmem>> -> memref<1x1x80x128xf32, #tpu.memory_space<vmem>>
      %dma_wait3A_722 = tpu.memref_squeeze %dma_wait3A_721 : memref<1x1x80x128xf32, #tpu.memory_space<vmem>> -> memref<80x128xf32, #tpu.memory_space<vmem>>
      %dma_wait3A_723 = arith.constant 0 : i32
      %dma_wait3A_724 = tpu.memref_slice %arg4[%mul3A_2, %dma_wait3A_723] : memref<204800x128xf32, #tpu.memory_space<hbm>> -> memref<80x128xf32, #tpu.memory_space<hbm>>
      %dma_wait3A_725 = arith.constant 0 : i32
      %dma_wait3A_726 = tpu.memref_slice %arg4[%mul3A_2, %dma_wait3A_725] : memref<204800x128xf32, #tpu.memory_space<hbm>> -> memref<80x128xf32, #tpu.memory_space<hbm>>
      %dma_wait3A_727 = arith.constant 0 : i32
      %dma_wait3A_728 = arith.constant 0 : i32
      %dma_wait3A_729 = tpu.memref_slice %arg6[%dma_wait3A_717, %dma_wait3A_718, %dma_wait3A_727, %dma_wait3A_728] : memref<2x4x80x128xf32, #tpu.memory_space<vmem>> -> memref<1x1x80x128xf32, #tpu.memory_space<vmem>>
      %dma_wait3A_730 = tpu.memref_squeeze %dma_wait3A_729 : memref<1x1x80x128xf32, #tpu.memory_space<vmem>> -> memref<80x128xf32, #tpu.memory_space<vmem>>
      tpu.wait_dma2 semaphore(%arg9 : memref<!tpu.dma_semaphore, #tpu.memory_space<semaphore_mem>>) src(%dma_wait3A_730 : memref<80x128xf32, #tpu.memory_space<vmem>>) dst(%dma_wait3A_726 : memref<80x128xf32, #tpu.memory_space<hbm>>)
      %mul3A_731 = arith.constant 4 : i32
      %mul3A_732 = arith.muli %add3A_674, %mul3A_731 : i32
      %add3A_733 = arith.constant 0 : i32
      %add3A_734 = arith.addi %mul3A_732, %add3A_733 : i32
      %mul3A_735 = arith.constant 80 : i32
      %mul3A_736 = arith.muli %add3A_734, %mul3A_735 : i32
      %dma_start3A_737 = arith.constant 1 : i32
      %dma_start3A_738 = arith.constant 0 : i32
      %dma_start3A_739 = arith.constant 0 : i32
      %dma_start3A_740 = arith.constant 0 : i32
      %dma_start3A_741 = tpu.memref_slice %arg6[%dma_start3A_737, %dma_start3A_738, %dma_start3A_739, %dma_start3A_740] : memref<2x4x80x128xf32, #tpu.memory_space<vmem>> -> memref<1x1x80x128xf32, #tpu.memory_space<vmem>>
      %dma_start3A_742 = tpu.memref_squeeze %dma_start3A_741 : memref<1x1x80x128xf32, #tpu.memory_space<vmem>> -> memref<80x128xf32, #tpu.memory_space<vmem>>
      %dma_start3A_743 = tpu.memref_slice %arg5[%mul3A_736] : memref<6400xi32, #tpu.memory_space<vmem>> -> memref<80xi32, #tpu.memory_space<vmem>>
      %dma_start3A_744 = arith.constant 0 : i32
      %dma_start3A_745 = arith.constant 0 : i32
      %dma_start3A_746 = tpu.memref_slice %arg3[%dma_start3A_744, %dma_start3A_745] : memref<100000x128xf32, #tpu.memory_space<hbm>> -> memref<100000x128xf32, #tpu.memory_space<hbm>>
      tpu.enqueue_indirect_dma source(%dma_start3A_746 : memref<100000x128xf32, #tpu.memory_space<hbm>>) target(%dma_start3A_742 : memref<80x128xf32, #tpu.memory_space<vmem>>) offsets(%dma_start3A_743 : memref<80xi32, #tpu.memory_space<vmem>>) semaphore(%arg7 : memref<!tpu.dma_semaphore, #tpu.memory_space<semaphore_mem>>)
      %mul3A_747 = arith.constant 4 : i32
      %mul3A_748 = arith.muli %add3A_674, %mul3A_747 : i32
      %add3A_749 = arith.constant 1 : i32
      %add3A_750 = arith.addi %mul3A_748, %add3A_749 : i32
      %mul3A_751 = arith.constant 80 : i32
      %mul3A_752 = arith.muli %add3A_750, %mul3A_751 : i32
      %dma_start3A_753 = arith.constant 1 : i32
      %dma_start3A_754 = arith.constant 1 : i32
      %dma_start3A_755 = arith.constant 0 : i32
      %dma_start3A_756 = arith.constant 0 : i32
      %dma_start3A_757 = tpu.memref_slice %arg6[%dma_start3A_753, %dma_start3A_754, %dma_start3A_755, %dma_start3A_756] : memref<2x4x80x128xf32, #tpu.memory_space<vmem>> -> memref<1x1x80x128xf32, #tpu.memory_space<vmem>>
      %dma_start3A_758 = tpu.memref_squeeze %dma_start3A_757 : memref<1x1x80x128xf32, #tpu.memory_space<vmem>> -> memref<80x128xf32, #tpu.memory_space<vmem>>
      %dma_start3A_759 = tpu.memref_slice %arg5[%mul3A_752] : memref<6400xi32, #tpu.memory_space<vmem>> -> memref<80xi32, #tpu.memory_space<vmem>>
      %dma_start3A_760 = arith.constant 0 : i32
      %dma_start3A_761 = arith.constant 0 : i32
      %dma_start3A_762 = tpu.memref_slice %arg3[%dma_start3A_760, %dma_start3A_761] : memref<100000x128xf32, #tpu.memory_space<hbm>> -> memref<100000x128xf32, #tpu.memory_space<hbm>>
      tpu.enqueue_indirect_dma source(%dma_start3A_762 : memref<100000x128xf32, #tpu.memory_space<hbm>>) target(%dma_start3A_758 : memref<80x128xf32, #tpu.memory_space<vmem>>) offsets(%dma_start3A_759 : memref<80xi32, #tpu.memory_space<vmem>>) semaphore(%arg7 : memref<!tpu.dma_semaphore, #tpu.memory_space<semaphore_mem>>)
      %mul3A_763 = arith.constant 4 : i32
      %mul3A_764 = arith.muli %add3A_674, %mul3A_763 : i32
      %add3A_765 = arith.constant 2 : i32
      %add3A_766 = arith.addi %mul3A_764, %add3A_765 : i32
      %mul3A_767 = arith.constant 80 : i32
      %mul3A_768 = arith.muli %add3A_766, %mul3A_767 : i32
      %dma_start3A_769 = arith.constant 1 : i32
      %dma_start3A_770 = arith.constant 2 : i32
      %dma_start3A_771 = arith.constant 0 : i32
      %dma_start3A_772 = arith.constant 0 : i32
      %dma_start3A_773 = tpu.memref_slice %arg6[%dma_start3A_769, %dma_start3A_770, %dma_start3A_771, %dma_start3A_772] : memref<2x4x80x128xf32, #tpu.memory_space<vmem>> -> memref<1x1x80x128xf32, #tpu.memory_space<vmem>>
      %dma_start3A_774 = tpu.memref_squeeze %dma_start3A_773 : memref<1x1x80x128xf32, #tpu.memory_space<vmem>> -> memref<80x128xf32, #tpu.memory_space<vmem>>
      %dma_start3A_775 = tpu.memref_slice %arg5[%mul3A_768] : memref<6400xi32, #tpu.memory_space<vmem>> -> memref<80xi32, #tpu.memory_space<vmem>>
      %dma_start3A_776 = arith.constant 0 : i32
      %dma_start3A_777 = arith.constant 0 : i32
      %dma_start3A_778 = tpu.memref_slice %arg3[%dma_start3A_776, %dma_start3A_777] : memref<100000x128xf32, #tpu.memory_space<hbm>> -> memref<100000x128xf32, #tpu.memory_space<hbm>>
      tpu.enqueue_indirect_dma source(%dma_start3A_778 : memref<100000x128xf32, #tpu.memory_space<hbm>>) target(%dma_start3A_774 : memref<80x128xf32, #tpu.memory_space<vmem>>) offsets(%dma_start3A_775 : memref<80xi32, #tpu.memory_space<vmem>>) semaphore(%arg7 : memref<!tpu.dma_semaphore, #tpu.memory_space<semaphore_mem>>)
      %mul3A_779 = arith.constant 4 : i32
      %mul3A_780 = arith.muli %add3A_674, %mul3A_779 : i32
      %add3A_781 = arith.constant 3 : i32
      %add3A_782 = arith.addi %mul3A_780, %add3A_781 : i32
      %mul3A_783 = arith.constant 80 : i32
      %mul3A_784 = arith.muli %add3A_782, %mul3A_783 : i32
      %dma_start3A_785 = arith.constant 1 : i32
      %dma_start3A_786 = arith.constant 3 : i32
      %dma_start3A_787 = arith.constant 0 : i32
      %dma_start3A_788 = arith.constant 0 : i32
      %dma_start3A_789 = tpu.memref_slice %arg6[%dma_start3A_785, %dma_start3A_786, %dma_start3A_787, %dma_start3A_788] : memref<2x4x80x128xf32, #tpu.memory_space<vmem>> -> memref<1x1x80x128xf32, #tpu.memory_space<vmem>>
      %dma_start3A_790 = tpu.memref_squeeze %dma_start3A_789 : memref<1x1x80x128xf32, #tpu.memory_space<vmem>> -> memref<80x128xf32, #tpu.memory_space<vmem>>
      %dma_start3A_791 = tpu.memref_slice %arg5[%mul3A_784] : memref<6400xi32, #tpu.memory_space<vmem>> -> memref<80xi32, #tpu.memory_space<vmem>>
      %dma_start3A_792 = arith.constant 0 : i32
      %dma_start3A_793 = arith.constant 0 : i32
      %dma_start3A_794 = tpu.memref_slice %arg3[%dma_start3A_792, %dma_start3A_793] : memref<100000x128xf32, #tpu.memory_space<hbm>> -> memref<100000x128xf32, #tpu.memory_space<hbm>>
      tpu.enqueue_indirect_dma source(%dma_start3A_794 : memref<100000x128xf32, #tpu.memory_space<hbm>>) target(%dma_start3A_790 : memref<80x128xf32, #tpu.memory_space<vmem>>) offsets(%dma_start3A_791 : memref<80xi32, #tpu.memory_space<vmem>>) semaphore(%arg7 : memref<!tpu.dma_semaphore, #tpu.memory_space<semaphore_mem>>)
      %dma_wait3A_795 = arith.constant 1 : i32
      %dma_wait3A_796 = arith.constant 0 : i32
      %dma_wait3A_797 = arith.constant 0 : i32
      %dma_wait3A_798 = arith.constant 0 : i32
      %dma_wait3A_799 = tpu.memref_slice %arg6[%dma_wait3A_795, %dma_wait3A_796, %dma_wait3A_797, %dma_wait3A_798] : memref<2x4x80x128xf32, #tpu.memory_space<vmem>> -> memref<1x1x80x128xf32, #tpu.memory_space<vmem>>
      %dma_wait3A_800 = tpu.memref_squeeze %dma_wait3A_799 : memref<1x1x80x128xf32, #tpu.memory_space<vmem>> -> memref<80x128xf32, #tpu.memory_space<vmem>>
      %dma_wait3A_801 = tpu.memref_slice %arg5[%mul3A_736] : memref<6400xi32, #tpu.memory_space<vmem>> -> memref<80xi32, #tpu.memory_space<vmem>>
      %dma_wait3A_802 = arith.constant 0 : i32
      %dma_wait3A_803 = arith.constant 0 : i32
      %dma_wait3A_804 = tpu.memref_slice %arg3[%dma_wait3A_802, %dma_wait3A_803] : memref<100000x128xf32, #tpu.memory_space<hbm>> -> memref<100000x128xf32, #tpu.memory_space<hbm>>
      tpu.wait_indirect_dma semaphore(%arg7 : memref<!tpu.dma_semaphore, #tpu.memory_space<semaphore_mem>>) src(%dma_wait3A_804 : memref<100000x128xf32, #tpu.memory_space<hbm>>) dst(%dma_wait3A_800 : memref<80x128xf32, #tpu.memory_space<vmem>>)
      %dma_wait3A_805 = arith.constant 1 : i32
      %dma_wait3A_806 = arith.constant 1 : i32
      %dma_wait3A_807 = arith.constant 0 : i32
      %dma_wait3A_808 = arith.constant 0 : i32
      %dma_wait3A_809 = tpu.memref_slice %arg6[%dma_wait3A_805, %dma_wait3A_806, %dma_wait3A_807, %dma_wait3A_808] : memref<2x4x80x128xf32, #tpu.memory_space<vmem>> -> memref<1x1x80x128xf32, #tpu.memory_space<vmem>>
      %dma_wait3A_810 = tpu.memref_squeeze %dma_wait3A_809 : memref<1x1x80x128xf32, #tpu.memory_space<vmem>> -> memref<80x128xf32, #tpu.memory_space<vmem>>
      %dma_wait3A_811 = tpu.memref_slice %arg5[%mul3A_752] : memref<6400xi32, #tpu.memory_space<vmem>> -> memref<80xi32, #tpu.memory_space<vmem>>
      %dma_wait3A_812 = arith.constant 0 : i32
      %dma_wait3A_813 = arith.constant 0 : i32
      %dma_wait3A_814 = tpu.memref_slice %arg3[%dma_wait3A_812, %dma_wait3A_813] : memref<100000x128xf32, #tpu.memory_space<hbm>> -> memref<100000x128xf32, #tpu.memory_space<hbm>>
      tpu.wait_indirect_dma semaphore(%arg7 : memref<!tpu.dma_semaphore, #tpu.memory_space<semaphore_mem>>) src(%dma_wait3A_814 : memref<100000x128xf32, #tpu.memory_space<hbm>>) dst(%dma_wait3A_810 : memref<80x128xf32, #tpu.memory_space<vmem>>)
      %dma_wait3A_815 = arith.constant 1 : i32
      %dma_wait3A_816 = arith.constant 2 : i32
      %dma_wait3A_817 = arith.constant 0 : i32
      %dma_wait3A_818 = arith.constant 0 : i32
      %dma_wait3A_819 = tpu.memref_slice %arg6[%dma_wait3A_815, %dma_wait3A_816, %dma_wait3A_817, %dma_wait3A_818] : memref<2x4x80x128xf32, #tpu.memory_space<vmem>> -> memref<1x1x80x128xf32, #tpu.memory_space<vmem>>
      %dma_wait3A_820 = tpu.memref_squeeze %dma_wait3A_819 : memref<1x1x80x128xf32, #tpu.memory_space<vmem>> -> memref<80x128xf32, #tpu.memory_space<vmem>>
      %dma_wait3A_821 = tpu.memref_slice %arg5[%mul3A_768] : memref<6400xi32, #tpu.memory_space<vmem>> -> memref<80xi32, #tpu.memory_space<vmem>>
      %dma_wait3A_822 = arith.constant 0 : i32
      %dma_wait3A_823 = arith.constant 0 : i32
      %dma_wait3A_824 = tpu.memref_slice %arg3[%dma_wait3A_822, %dma_wait3A_823] : memref<100000x128xf32, #tpu.memory_space<hbm>> -> memref<100000x128xf32, #tpu.memory_space<hbm>>
      tpu.wait_indirect_dma semaphore(%arg7 : memref<!tpu.dma_semaphore, #tpu.memory_space<semaphore_mem>>) src(%dma_wait3A_824 : memref<100000x128xf32, #tpu.memory_space<hbm>>) dst(%dma_wait3A_820 : memref<80x128xf32, #tpu.memory_space<vmem>>)
      %dma_wait3A_825 = arith.constant 1 : i32
      %dma_wait3A_826 = arith.constant 3 : i32
      %dma_wait3A_827 = arith.constant 0 : i32
      %dma_wait3A_828 = arith.constant 0 : i32
      %dma_wait3A_829 = tpu.memref_slice %arg6[%dma_wait3A_825, %dma_wait3A_826, %dma_wait3A_827, %dma_wait3A_828] : memref<2x4x80x128xf32, #tpu.memory_space<vmem>> -> memref<1x1x80x128xf32, #tpu.memory_space<vmem>>
      %dma_wait3A_830 = tpu.memref_squeeze %dma_wait3A_829 : memref<1x1x80x128xf32, #tpu.memory_space<vmem>> -> memref<80x128xf32, #tpu.memory_space<vmem>>
      %dma_wait3A_831 = tpu.memref_slice %arg5[%mul3A_784] : memref<6400xi32, #tpu.memory_space<vmem>> -> memref<80xi32, #tpu.memory_space<vmem>>
      %dma_wait3A_832 = arith.constant 0 : i32
      %dma_wait3A_833 = arith.constant 0 : i32
      %dma_wait3A_834 = tpu.memref_slice %arg3[%dma_wait3A_832, %dma_wait3A_833] : memref<100000x128xf32, #tpu.memory_space<hbm>> -> memref<100000x128xf32, #tpu.memory_space<hbm>>
      tpu.wait_indirect_dma semaphore(%arg7 : memref<!tpu.dma_semaphore, #tpu.memory_space<semaphore_mem>>) src(%dma_wait3A_834 : memref<100000x128xf32, #tpu.memory_space<hbm>>) dst(%dma_wait3A_830 : memref<80x128xf32, #tpu.memory_space<vmem>>)
      %mul3A_835 = arith.constant 4 : i32
      %mul3A_836 = arith.muli %add3A_674, %mul3A_835 : i32
      %add3A_837 = arith.constant 0 : i32
      %add3A_838 = arith.addi %mul3A_836, %add3A_837 : i32
      %mul3A_839 = arith.constant 80 : i32
      %mul3A_840 = arith.muli %add3A_838, %mul3A_839 : i32
      %add3A_841 = arith.addi %mul3A_2, %mul3A_840 : i32
      %dma_start3A_842 = arith.constant 1 : i32
      %dma_start3A_843 = arith.constant 0 : i32
      %dma_start3A_844 = arith.constant 0 : i32
      %dma_start3A_845 = arith.constant 0 : i32
      %dma_start3A_846 = tpu.memref_slice %arg6[%dma_start3A_842, %dma_start3A_843, %dma_start3A_844, %dma_start3A_845] : memref<2x4x80x128xf32, #tpu.memory_space<vmem>> -> memref<1x1x80x128xf32, #tpu.memory_space<vmem>>
      %dma_start3A_847 = tpu.memref_squeeze %dma_start3A_846 : memref<1x1x80x128xf32, #tpu.memory_space<vmem>> -> memref<80x128xf32, #tpu.memory_space<vmem>>
      %dma_start3A_848 = arith.constant 0 : i32
      %dma_start3A_849 = tpu.memref_slice %arg4[%add3A_841, %dma_start3A_848] : memref<204800x128xf32, #tpu.memory_space<hbm>> -> memref<80x128xf32, #tpu.memory_space<hbm>>
      %dma_start3A_850 = arith.constant 0 : i32
      %dma_start3A_851 = tpu.memref_slice %arg4[%add3A_841, %dma_start3A_850] : memref<204800x128xf32, #tpu.memory_space<hbm>> -> memref<80x128xf32, #tpu.memory_space<hbm>>
      %dma_start3A_852 = arith.constant 0 : i32
      %dma_start3A_853 = arith.constant 0 : i32
      %dma_start3A_854 = tpu.memref_slice %arg6[%dma_start3A_842, %dma_start3A_843, %dma_start3A_852, %dma_start3A_853] : memref<2x4x80x128xf32, #tpu.memory_space<vmem>> -> memref<1x1x80x128xf32, #tpu.memory_space<vmem>>
      %dma_start3A_855 = tpu.memref_squeeze %dma_start3A_854 : memref<1x1x80x128xf32, #tpu.memory_space<vmem>> -> memref<80x128xf32, #tpu.memory_space<vmem>>
      tpu.enqueue_dma source(%dma_start3A_855 : memref<80x128xf32, #tpu.memory_space<vmem>>) target(%dma_start3A_851 : memref<80x128xf32, #tpu.memory_space<hbm>>) target_semaphore(%arg9 : memref<!tpu.dma_semaphore, #tpu.memory_space<semaphore_mem>>)
      %mul3A_856 = arith.constant 4 : i32
      %mul3A_857 = arith.muli %add3A_674, %mul3A_856 : i32
      %add3A_858 = arith.constant 1 : i32
      %add3A_859 = arith.addi %mul3A_857, %add3A_858 : i32
      %mul3A_860 = arith.constant 80 : i32
      %mul3A_861 = arith.muli %add3A_859, %mul3A_860 : i32
      %add3A_862 = arith.addi %mul3A_2, %mul3A_861 : i32
      %dma_start3A_863 = arith.constant 1 : i32
      %dma_start3A_864 = arith.constant 1 : i32
      %dma_start3A_865 = arith.constant 0 : i32
      %dma_start3A_866 = arith.constant 0 : i32
      %dma_start3A_867 = tpu.memref_slice %arg6[%dma_start3A_863, %dma_start3A_864, %dma_start3A_865, %dma_start3A_866] : memref<2x4x80x128xf32, #tpu.memory_space<vmem>> -> memref<1x1x80x128xf32, #tpu.memory_space<vmem>>
      %dma_start3A_868 = tpu.memref_squeeze %dma_start3A_867 : memref<1x1x80x128xf32, #tpu.memory_space<vmem>> -> memref<80x128xf32, #tpu.memory_space<vmem>>
      %dma_start3A_869 = arith.constant 0 : i32
      %dma_start3A_870 = tpu.memref_slice %arg4[%add3A_862, %dma_start3A_869] : memref<204800x128xf32, #tpu.memory_space<hbm>> -> memref<80x128xf32, #tpu.memory_space<hbm>>
      %dma_start3A_871 = arith.constant 0 : i32
      %dma_start3A_872 = tpu.memref_slice %arg4[%add3A_862, %dma_start3A_871] : memref<204800x128xf32, #tpu.memory_space<hbm>> -> memref<80x128xf32, #tpu.memory_space<hbm>>
      %dma_start3A_873 = arith.constant 0 : i32
      %dma_start3A_874 = arith.constant 0 : i32
      %dma_start3A_875 = tpu.memref_slice %arg6[%dma_start3A_863, %dma_start3A_864, %dma_start3A_873, %dma_start3A_874] : memref<2x4x80x128xf32, #tpu.memory_space<vmem>> -> memref<1x1x80x128xf32, #tpu.memory_space<vmem>>
      %dma_start3A_876 = tpu.memref_squeeze %dma_start3A_875 : memref<1x1x80x128xf32, #tpu.memory_space<vmem>> -> memref<80x128xf32, #tpu.memory_space<vmem>>
      tpu.enqueue_dma source(%dma_start3A_876 : memref<80x128xf32, #tpu.memory_space<vmem>>) target(%dma_start3A_872 : memref<80x128xf32, #tpu.memory_space<hbm>>) target_semaphore(%arg9 : memref<!tpu.dma_semaphore, #tpu.memory_space<semaphore_mem>>)
      %mul3A_877 = arith.constant 4 : i32
      %mul3A_878 = arith.muli %add3A_674, %mul3A_877 : i32
      %add3A_879 = arith.constant 2 : i32
      %add3A_880 = arith.addi %mul3A_878, %add3A_879 : i32
      %mul3A_881 = arith.constant 80 : i32
      %mul3A_882 = arith.muli %add3A_880, %mul3A_881 : i32
      %add3A_883 = arith.addi %mul3A_2, %mul3A_882 : i32
      %dma_start3A_884 = arith.constant 1 : i32
      %dma_start3A_885 = arith.constant 2 : i32
      %dma_start3A_886 = arith.constant 0 : i32
      %dma_start3A_887 = arith.constant 0 : i32
      %dma_start3A_888 = tpu.memref_slice %arg6[%dma_start3A_884, %dma_start3A_885, %dma_start3A_886, %dma_start3A_887] : memref<2x4x80x128xf32, #tpu.memory_space<vmem>> -> memref<1x1x80x128xf32, #tpu.memory_space<vmem>>
      %dma_start3A_889 = tpu.memref_squeeze %dma_start3A_888 : memref<1x1x80x128xf32, #tpu.memory_space<vmem>> -> memref<80x128xf32, #tpu.memory_space<vmem>>
      %dma_start3A_890 = arith.constant 0 : i32
      %dma_start3A_891 = tpu.memref_slice %arg4[%add3A_883, %dma_start3A_890] : memref<204800x128xf32, #tpu.memory_space<hbm>> -> memref<80x128xf32, #tpu.memory_space<hbm>>
      %dma_start3A_892 = arith.constant 0 : i32
      %dma_start3A_893 = tpu.memref_slice %arg4[%add3A_883, %dma_start3A_892] : memref<204800x128xf32, #tpu.memory_space<hbm>> -> memref<80x128xf32, #tpu.memory_space<hbm>>
      %dma_start3A_894 = arith.constant 0 : i32
      %dma_start3A_895 = arith.constant 0 : i32
      %dma_start3A_896 = tpu.memref_slice %arg6[%dma_start3A_884, %dma_start3A_885, %dma_start3A_894, %dma_start3A_895] : memref<2x4x80x128xf32, #tpu.memory_space<vmem>> -> memref<1x1x80x128xf32, #tpu.memory_space<vmem>>
      %dma_start3A_897 = tpu.memref_squeeze %dma_start3A_896 : memref<1x1x80x128xf32, #tpu.memory_space<vmem>> -> memref<80x128xf32, #tpu.memory_space<vmem>>
      tpu.enqueue_dma source(%dma_start3A_897 : memref<80x128xf32, #tpu.memory_space<vmem>>) target(%dma_start3A_893 : memref<80x128xf32, #tpu.memory_space<hbm>>) target_semaphore(%arg9 : memref<!tpu.dma_semaphore, #tpu.memory_space<semaphore_mem>>)
      %mul3A_898 = arith.constant 4 : i32
      %mul3A_899 = arith.muli %add3A_674, %mul3A_898 : i32
      %add3A_900 = arith.constant 3 : i32
      %add3A_901 = arith.addi %mul3A_899, %add3A_900 : i32
      %mul3A_902 = arith.constant 80 : i32
      %mul3A_903 = arith.muli %add3A_901, %mul3A_902 : i32
      %add3A_904 = arith.addi %mul3A_2, %mul3A_903 : i32
      %dma_start3A_905 = arith.constant 1 : i32
      %dma_start3A_906 = arith.constant 3 : i32
      %dma_start3A_907 = arith.constant 0 : i32
      %dma_start3A_908 = arith.constant 0 : i32
      %dma_start3A_909 = tpu.memref_slice %arg6[%dma_start3A_905, %dma_start3A_906, %dma_start3A_907, %dma_start3A_908] : memref<2x4x80x128xf32, #tpu.memory_space<vmem>> -> memref<1x1x80x128xf32, #tpu.memory_space<vmem>>
      %dma_start3A_910 = tpu.memref_squeeze %dma_start3A_909 : memref<1x1x80x128xf32, #tpu.memory_space<vmem>> -> memref<80x128xf32, #tpu.memory_space<vmem>>
      %dma_start3A_911 = arith.constant 0 : i32
      %dma_start3A_912 = tpu.memref_slice %arg4[%add3A_904, %dma_start3A_911] : memref<204800x128xf32, #tpu.memory_space<hbm>> -> memref<80x128xf32, #tpu.memory_space<hbm>>
      %dma_start3A_913 = arith.constant 0 : i32
      %dma_start3A_914 = tpu.memref_slice %arg4[%add3A_904, %dma_start3A_913] : memref<204800x128xf32, #tpu.memory_space<hbm>> -> memref<80x128xf32, #tpu.memory_space<hbm>>
      %dma_start3A_915 = arith.constant 0 : i32
      %dma_start3A_916 = arith.constant 0 : i32
      %dma_start3A_917 = tpu.memref_slice %arg6[%dma_start3A_905, %dma_start3A_906, %dma_start3A_915, %dma_start3A_916] : memref<2x4x80x128xf32, #tpu.memory_space<vmem>> -> memref<1x1x80x128xf32, #tpu.memory_space<vmem>>
      %dma_start3A_918 = tpu.memref_squeeze %dma_start3A_917 : memref<1x1x80x128xf32, #tpu.memory_space<vmem>> -> memref<80x128xf32, #tpu.memory_space<vmem>>
      tpu.enqueue_dma source(%dma_start3A_918 : memref<80x128xf32, #tpu.memory_space<vmem>>) target(%dma_start3A_914 : memref<80x128xf32, #tpu.memory_space<hbm>>) target_semaphore(%arg9 : memref<!tpu.dma_semaphore, #tpu.memory_space<semaphore_mem>>)
    }
    %scan3A_309 = arith.constant 9 : i32
    %dma_wait3A_310 = arith.constant 0 : i32
    %dma_wait3A_311 = arith.constant 0 : i32
    %dma_wait3A_312 = arith.constant 0 : i32
    %dma_wait3A_313 = arith.constant 0 : i32
    %dma_wait3A_314 = tpu.memref_slice %arg6[%dma_wait3A_310, %dma_wait3A_311, %dma_wait3A_312, %dma_wait3A_313] : memref<2x4x80x128xf32, #tpu.memory_space<vmem>> -> memref<1x1x80x128xf32, #tpu.memory_space<vmem>>
    %dma_wait3A_315 = tpu.memref_squeeze %dma_wait3A_314 : memref<1x1x80x128xf32, #tpu.memory_space<vmem>> -> memref<80x128xf32, #tpu.memory_space<vmem>>
    %dma_wait3A_316 = arith.constant 0 : i32
    %dma_wait3A_317 = tpu.memref_slice %arg4[%mul3A_2, %dma_wait3A_316] : memref<204800x128xf32, #tpu.memory_space<hbm>> -> memref<80x128xf32, #tpu.memory_space<hbm>>
    %dma_wait3A_318 = arith.constant 0 : i32
    %dma_wait3A_319 = tpu.memref_slice %arg4[%mul3A_2, %dma_wait3A_318] : memref<204800x128xf32, #tpu.memory_space<hbm>> -> memref<80x128xf32, #tpu.memory_space<hbm>>
    %dma_wait3A_320 = arith.constant 0 : i32
    %dma_wait3A_321 = arith.constant 0 : i32
    %dma_wait3A_322 = tpu.memref_slice %arg6[%dma_wait3A_310, %dma_wait3A_311, %dma_wait3A_320, %dma_wait3A_321] : memref<2x4x80x128xf32, #tpu.memory_space<vmem>> -> memref<1x1x80x128xf32, #tpu.memory_space<vmem>>
    %dma_wait3A_323 = tpu.memref_squeeze %dma_wait3A_322 : memref<1x1x80x128xf32, #tpu.memory_space<vmem>> -> memref<80x128xf32, #tpu.memory_space<vmem>>
    tpu.wait_dma2 semaphore(%arg8 : memref<!tpu.dma_semaphore, #tpu.memory_space<semaphore_mem>>) src(%dma_wait3A_323 : memref<80x128xf32, #tpu.memory_space<vmem>>) dst(%dma_wait3A_319 : memref<80x128xf32, #tpu.memory_space<hbm>>)
    %dma_wait3A_324 = arith.constant 0 : i32
    %dma_wait3A_325 = arith.constant 1 : i32
    %dma_wait3A_326 = arith.constant 0 : i32
    %dma_wait3A_327 = arith.constant 0 : i32
    %dma_wait3A_328 = tpu.memref_slice %arg6[%dma_wait3A_324, %dma_wait3A_325, %dma_wait3A_326, %dma_wait3A_327] : memref<2x4x80x128xf32, #tpu.memory_space<vmem>> -> memref<1x1x80x128xf32, #tpu.memory_space<vmem>>
    %dma_wait3A_329 = tpu.memref_squeeze %dma_wait3A_328 : memref<1x1x80x128xf32, #tpu.memory_space<vmem>> -> memref<80x128xf32, #tpu.memory_space<vmem>>
    %dma_wait3A_330 = arith.constant 0 : i32
    %dma_wait3A_331 = tpu.memref_slice %arg4[%mul3A_2, %dma_wait3A_330] : memref<204800x128xf32, #tpu.memory_space<hbm>> -> memref<80x128xf32, #tpu.memory_space<hbm>>
    %dma_wait3A_332 = arith.constant 0 : i32
    %dma_wait3A_333 = tpu.memref_slice %arg4[%mul3A_2, %dma_wait3A_332] : memref<204800x128xf32, #tpu.memory_space<hbm>> -> memref<80x128xf32, #tpu.memory_space<hbm>>
    %dma_wait3A_334 = arith.constant 0 : i32
    %dma_wait3A_335 = arith.constant 0 : i32
    %dma_wait3A_336 = tpu.memref_slice %arg6[%dma_wait3A_324, %dma_wait3A_325, %dma_wait3A_334, %dma_wait3A_335] : memref<2x4x80x128xf32, #tpu.memory_space<vmem>> -> memref<1x1x80x128xf32, #tpu.memory_space<vmem>>
    %dma_wait3A_337 = tpu.memref_squeeze %dma_wait3A_336 : memref<1x1x80x128xf32, #tpu.memory_space<vmem>> -> memref<80x128xf32, #tpu.memory_space<vmem>>
    tpu.wait_dma2 semaphore(%arg8 : memref<!tpu.dma_semaphore, #tpu.memory_space<semaphore_mem>>) src(%dma_wait3A_337 : memref<80x128xf32, #tpu.memory_space<vmem>>) dst(%dma_wait3A_333 : memref<80x128xf32, #tpu.memory_space<hbm>>)
    %dma_wait3A_338 = arith.constant 0 : i32
    %dma_wait3A_339 = arith.constant 2 : i32
    %dma_wait3A_340 = arith.constant 0 : i32
    %dma_wait3A_341 = arith.constant 0 : i32
    %dma_wait3A_342 = tpu.memref_slice %arg6[%dma_wait3A_338, %dma_wait3A_339, %dma_wait3A_340, %dma_wait3A_341] : memref<2x4x80x128xf32, #tpu.memory_space<vmem>> -> memref<1x1x80x128xf32, #tpu.memory_space<vmem>>
    %dma_wait3A_343 = tpu.memref_squeeze %dma_wait3A_342 : memref<1x1x80x128xf32, #tpu.memory_space<vmem>> -> memref<80x128xf32, #tpu.memory_space<vmem>>
    %dma_wait3A_344 = arith.constant 0 : i32
    %dma_wait3A_345 = tpu.memref_slice %arg4[%mul3A_2, %dma_wait3A_344] : memref<204800x128xf32, #tpu.memory_space<hbm>> -> memref<80x128xf32, #tpu.memory_space<hbm>>
    %dma_wait3A_346 = arith.constant 0 : i32
    %dma_wait3A_347 = tpu.memref_slice %arg4[%mul3A_2, %dma_wait3A_346] : memref<204800x128xf32, #tpu.memory_space<hbm>> -> memref<80x128xf32, #tpu.memory_space<hbm>>
    %dma_wait3A_348 = arith.constant 0 : i32
    %dma_wait3A_349 = arith.constant 0 : i32
    %dma_wait3A_350 = tpu.memref_slice %arg6[%dma_wait3A_338, %dma_wait3A_339, %dma_wait3A_348, %dma_wait3A_349] : memref<2x4x80x128xf32, #tpu.memory_space<vmem>> -> memref<1x1x80x128xf32, #tpu.memory_space<vmem>>
    %dma_wait3A_351 = tpu.memref_squeeze %dma_wait3A_350 : memref<1x1x80x128xf32, #tpu.memory_space<vmem>> -> memref<80x128xf32, #tpu.memory_space<vmem>>
    tpu.wait_dma2 semaphore(%arg8 : memref<!tpu.dma_semaphore, #tpu.memory_space<semaphore_mem>>) src(%dma_wait3A_351 : memref<80x128xf32, #tpu.memory_space<vmem>>) dst(%dma_wait3A_347 : memref<80x128xf32, #tpu.memory_space<hbm>>)
    %dma_wait3A_352 = arith.constant 0 : i32
    %dma_wait3A_353 = arith.constant 3 : i32
    %dma_wait3A_354 = arith.constant 0 : i32
    %dma_wait3A_355 = arith.constant 0 : i32
    %dma_wait3A_356 = tpu.memref_slice %arg6[%dma_wait3A_352, %dma_wait3A_353, %dma_wait3A_354, %dma_wait3A_355] : memref<2x4x80x128xf32, #tpu.memory_space<vmem>> -> memref<1x1x80x128xf32, #tpu.memory_space<vmem>>
    %dma_wait3A_357 = tpu.memref_squeeze %dma_wait3A_356 : memref<1x1x80x128xf32, #tpu.memory_space<vmem>> -> memref<80x128xf32, #tpu.memory_space<vmem>>
    %dma_wait3A_358 = arith.constant 0 : i32
    %dma_wait3A_359 = tpu.memref_slice %arg4[%mul3A_2, %dma_wait3A_358] : memref<204800x128xf32, #tpu.memory_space<hbm>> -> memref<80x128xf32, #tpu.memory_space<hbm>>
    %dma_wait3A_360 = arith.constant 0 : i32
    %dma_wait3A_361 = tpu.memref_slice %arg4[%mul3A_2, %dma_wait3A_360] : memref<204800x128xf32, #tpu.memory_space<hbm>> -> memref<80x128xf32, #tpu.memory_space<hbm>>
    %dma_wait3A_362 = arith.constant 0 : i32
    %dma_wait3A_363 = arith.constant 0 : i32
    %dma_wait3A_364 = tpu.memref_slice %arg6[%dma_wait3A_352, %dma_wait3A_353, %dma_wait3A_362, %dma_wait3A_363] : memref<2x4x80x128xf32, #tpu.memory_space<vmem>> -> memref<1x1x80x128xf32, #tpu.memory_space<vmem>>
    %dma_wait3A_365 = tpu.memref_squeeze %dma_wait3A_364 : memref<1x1x80x128xf32, #tpu.memory_space<vmem>> -> memref<80x128xf32, #tpu.memory_space<vmem>>
    tpu.wait_dma2 semaphore(%arg8 : memref<!tpu.dma_semaphore, #tpu.memory_space<semaphore_mem>>) src(%dma_wait3A_365 : memref<80x128xf32, #tpu.memory_space<vmem>>) dst(%dma_wait3A_361 : memref<80x128xf32, #tpu.memory_space<hbm>>)
    %dma_wait3A_366 = arith.constant 1 : i32
    %dma_wait3A_367 = arith.constant 0 : i32
    %dma_wait3A_368 = arith.constant 0 : i32
    %dma_wait3A_369 = arith.constant 0 : i32
    %dma_wait3A_370 = tpu.memref_slice %arg6[%dma_wait3A_366, %dma_wait3A_367, %dma_wait3A_368, %dma_wait3A_369] : memref<2x4x80x128xf32, #tpu.memory_space<vmem>> -> memref<1x1x80x128xf32, #tpu.memory_space<vmem>>
    %dma_wait3A_371 = tpu.memref_squeeze %dma_wait3A_370 : memref<1x1x80x128xf32, #tpu.memory_space<vmem>> -> memref<80x128xf32, #tpu.memory_space<vmem>>
    %dma_wait3A_372 = arith.constant 0 : i32
    %dma_wait3A_373 = tpu.memref_slice %arg4[%mul3A_2, %dma_wait3A_372] : memref<204800x128xf32, #tpu.memory_space<hbm>> -> memref<80x128xf32, #tpu.memory_space<hbm>>
    %dma_wait3A_374 = arith.constant 0 : i32
    %dma_wait3A_375 = tpu.memref_slice %arg4[%mul3A_2, %dma_wait3A_374] : memref<204800x128xf32, #tpu.memory_space<hbm>> -> memref<80x128xf32, #tpu.memory_space<hbm>>
    %dma_wait3A_376 = arith.constant 0 : i32
    %dma_wait3A_377 = arith.constant 0 : i32
    %dma_wait3A_378 = tpu.memref_slice %arg6[%dma_wait3A_366, %dma_wait3A_367, %dma_wait3A_376, %dma_wait3A_377] : memref<2x4x80x128xf32, #tpu.memory_space<vmem>> -> memref<1x1x80x128xf32, #tpu.memory_space<vmem>>
    %dma_wait3A_379 = tpu.memref_squeeze %dma_wait3A_378 : memref<1x1x80x128xf32, #tpu.memory_space<vmem>> -> memref<80x128xf32, #tpu.memory_space<vmem>>
    tpu.wait_dma2 semaphore(%arg9 : memref<!tpu.dma_semaphore, #tpu.memory_space<semaphore_mem>>) src(%dma_wait3A_379 : memref<80x128xf32, #tpu.memory_space<vmem>>) dst(%dma_wait3A_375 : memref<80x128xf32, #tpu.memory_space<hbm>>)
    %dma_wait3A_380 = arith.constant 1 : i32
    %dma_wait3A_381 = arith.constant 1 : i32
    %dma_wait3A_382 = arith.constant 0 : i32
    %dma_wait3A_383 = arith.constant 0 : i32
    %dma_wait3A_384 = tpu.memref_slice %arg6[%dma_wait3A_380, %dma_wait3A_381, %dma_wait3A_382, %dma_wait3A_383] : memref<2x4x80x128xf32, #tpu.memory_space<vmem>> -> memref<1x1x80x128xf32, #tpu.memory_space<vmem>>
    %dma_wait3A_385 = tpu.memref_squeeze %dma_wait3A_384 : memref<1x1x80x128xf32, #tpu.memory_space<vmem>> -> memref<80x128xf32, #tpu.memory_space<vmem>>
    %dma_wait3A_386 = arith.constant 0 : i32
    %dma_wait3A_387 = tpu.memref_slice %arg4[%mul3A_2, %dma_wait3A_386] : memref<204800x128xf32, #tpu.memory_space<hbm>> -> memref<80x128xf32, #tpu.memory_space<hbm>>
    %dma_wait3A_388 = arith.constant 0 : i32
    %dma_wait3A_389 = tpu.memref_slice %arg4[%mul3A_2, %dma_wait3A_388] : memref<204800x128xf32, #tpu.memory_space<hbm>> -> memref<80x128xf32, #tpu.memory_space<hbm>>
    %dma_wait3A_390 = arith.constant 0 : i32
    %dma_wait3A_391 = arith.constant 0 : i32
    %dma_wait3A_392 = tpu.memref_slice %arg6[%dma_wait3A_380, %dma_wait3A_381, %dma_wait3A_390, %dma_wait3A_391] : memref<2x4x80x128xf32, #tpu.memory_space<vmem>> -> memref<1x1x80x128xf32, #tpu.memory_space<vmem>>
    %dma_wait3A_393 = tpu.memref_squeeze %dma_wait3A_392 : memref<1x1x80x128xf32, #tpu.memory_space<vmem>> -> memref<80x128xf32, #tpu.memory_space<vmem>>
    tpu.wait_dma2 semaphore(%arg9 : memref<!tpu.dma_semaphore, #tpu.memory_space<semaphore_mem>>) src(%dma_wait3A_393 : memref<80x128xf32, #tpu.memory_space<vmem>>) dst(%dma_wait3A_389 : memref<80x128xf32, #tpu.memory_space<hbm>>)
    %dma_wait3A_394 = arith.constant 1 : i32
    %dma_wait3A_395 = arith.constant 2 : i32
    %dma_wait3A_396 = arith.constant 0 : i32
    %dma_wait3A_397 = arith.constant 0 : i32
    %dma_wait3A_398 = tpu.memref_slice %arg6[%dma_wait3A_394, %dma_wait3A_395, %dma_wait3A_396, %dma_wait3A_397] : memref<2x4x80x128xf32, #tpu.memory_space<vmem>> -> memref<1x1x80x128xf32, #tpu.memory_space<vmem>>
    %dma_wait3A_399 = tpu.memref_squeeze %dma_wait3A_398 : memref<1x1x80x128xf32, #tpu.memory_space<vmem>> -> memref<80x128xf32, #tpu.memory_space<vmem>>
    %dma_wait3A_400 = arith.constant 0 : i32
    %dma_wait3A_401 = tpu.memref_slice %arg4[%mul3A_2, %dma_wait3A_400] : memref<204800x128xf32, #tpu.memory_space<hbm>> -> memref<80x128xf32, #tpu.memory_space<hbm>>
    %dma_wait3A_402 = arith.constant 0 : i32
    %dma_wait3A_403 = tpu.memref_slice %arg4[%mul3A_2, %dma_wait3A_402] : memref<204800x128xf32, #tpu.memory_space<hbm>> -> memref<80x128xf32, #tpu.memory_space<hbm>>
    %dma_wait3A_404 = arith.constant 0 : i32
    %dma_wait3A_405 = arith.constant 0 : i32
    %dma_wait3A_406 = tpu.memref_slice %arg6[%dma_wait3A_394, %dma_wait3A_395, %dma_wait3A_404, %dma_wait3A_405] : memref<2x4x80x128xf32, #tpu.memory_space<vmem>> -> memref<1x1x80x128xf32, #tpu.memory_space<vmem>>
    %dma_wait3A_407 = tpu.memref_squeeze %dma_wait3A_406 : memref<1x1x80x128xf32, #tpu.memory_space<vmem>> -> memref<80x128xf32, #tpu.memory_space<vmem>>
    tpu.wait_dma2 semaphore(%arg9 : memref<!tpu.dma_semaphore, #tpu.memory_space<semaphore_mem>>) src(%dma_wait3A_407 : memref<80x128xf32, #tpu.memory_space<vmem>>) dst(%dma_wait3A_403 : memref<80x128xf32, #tpu.memory_space<hbm>>)
    %dma_wait3A_408 = arith.constant 1 : i32
    %dma_wait3A_409 = arith.constant 3 : i32
    %dma_wait3A_410 = arith.constant 0 : i32
    %dma_wait3A_411 = arith.constant 0 : i32
    %dma_wait3A_412 = tpu.memref_slice %arg6[%dma_wait3A_408, %dma_wait3A_409, %dma_wait3A_410, %dma_wait3A_411] : memref<2x4x80x128xf32, #tpu.memory_space<vmem>> -> memref<1x1x80x128xf32, #tpu.memory_space<vmem>>
    %dma_wait3A_413 = tpu.memref_squeeze %dma_wait3A_412 : memref<1x1x80x128xf32, #tpu.memory_space<vmem>> -> memref<80x128xf32, #tpu.memory_space<vmem>>
    %dma_wait3A_414 = arith.constant 0 : i32
    %dma_wait3A_415 = tpu.memref_slice %arg4[%mul3A_2, %dma_wait3A_414] : memref<204800x128xf32, #tpu.memory_space<hbm>> -> memref<80x128xf32, #tpu.memory_space<hbm>>
    %dma_wait3A_416 = arith.constant 0 : i32
    %dma_wait3A_417 = tpu.memref_slice %arg4[%mul3A_2, %dma_wait3A_416] : memref<204800x128xf32, #tpu.memory_space<hbm>> -> memref<80x128xf32, #tpu.memory_space<hbm>>
    %dma_wait3A_418 = arith.constant 0 : i32
    %dma_wait3A_419 = arith.constant 0 : i32
    %dma_wait3A_420 = tpu.memref_slice %arg6[%dma_wait3A_408, %dma_wait3A_409, %dma_wait3A_418, %dma_wait3A_419] : memref<2x4x80x128xf32, #tpu.memory_space<vmem>> -> memref<1x1x80x128xf32, #tpu.memory_space<vmem>>
    %dma_wait3A_421 = tpu.memref_squeeze %dma_wait3A_420 : memref<1x1x80x128xf32, #tpu.memory_space<vmem>> -> memref<80x128xf32, #tpu.memory_space<vmem>>
    tpu.wait_dma2 semaphore(%arg9 : memref<!tpu.dma_semaphore, #tpu.memory_space<semaphore_mem>>) src(%dma_wait3A_421 : memref<80x128xf32, #tpu.memory_space<vmem>>) dst(%dma_wait3A_417 : memref<80x128xf32, #tpu.memory_space<hbm>>)
    return
  }
}

</mosaic_0001>

<sc_bundles>
// kernel: kernel.3.cloned.1.call-start
scs
__scs_entry_jumppad:
0x0: {  	(pc) =	sbr.rel $0x88, $3  }
0x1: {  	(tag) =	ssettag $0x0;
	lr =	simm.s32 $0x1  }
0x2: {  	[smem:$0x3F9F] =	sst lr;
	_ =	strace $0xD0000000  }
0x3: {  	_ = 	snop  }
0x4: {  	_ = 	snop  }
0x5: {  	_ = 	snop  }
0x6: {  	_ = 	snop  }
0x7: {  	_ = 	snop  }
__scs_overlays_trampoline_lowered:
0x8: {  	[smem:$0x3FAE] =	sst s0  }
0x9: {  	[smem:$0x3FAF] =	sst s1  }
0xa: {  	[smem:$0x3FB0] =	sst s2  }
0xb: {  	[smem:$0x3FB1] =	sst s3  }
0xc: {  	[smem:$0x3FB2] =	sst s4  }
0xd: {  	[smem:$0x3FB3] =	sst s5  }
0xe: {  	[smem:$0x3FB4] =	sst s6  }
0xf: {  	[smem:$0x3FB5] =	sst s7  }
0x10: {  	[smem:$0x3FB6] =	sst s8  }
0x11: {  	[smem:$0x3FB7] =	sst s9;
	s0 =	simm.s32 @!p0 $0x0  }
0x12: {  	s1 =	sld [smem:$0x3F9D];
	s0 =	simm.s32 @p0 $0x1  }
0x13: {  	[smem:$0x3FB8] =	sst s0;
	s0 =	simm.s32 @!p1 $0x0  }
0x14: {  	s2 =	sld [smem:$0x3F9C];
	s0 =	simm.s32 @p1 $0x1  }
0x15: {  	[smem:$0x3FB9] =	sst s0;
	s0 =	simm.s32 @!p2 $0x0  }
0x16: {  	s3 =	sld [smem:$0x3FDB];
	s0 =	simm.s32 @p2 $0x1  }
0x17: {  	s4 =	simm.s32 $0x1BF5;
	[smem:$0x3FBB] =	sst s0  }
0x18: {  	s0 =	sld [smem:$0x3F9E];
	_ =	swait.ge [sflag:s4], $0x0  }
0x19: {  	s7 =	sld [smem:$0x3F9F]  }
0x1a: {  	s8 =	sadd.s32 $0xFFFFE003, lr  }
0x1b: {  	s9 =	sadd.s32 $0xFFFFFEF7, lr;
	s5 =	simm.s32 $0xFFFFFFFF;
	p2 =	slt.u32 s8, $0xFFFFF086  }
0x1c: {  	p1 =	slt.u32 s9, $0xF7A;
	s5 =	simm.s32 @!p2 $0x0  }
0x1d: {  	s5 =	simm.s32 @p1 $0x1;
	p0 =	seq.s32 s7, s2  }
0x1e: {  	s7 =	smul.u32 @!p0 $0xF7A, s2;
	p2 =	seq.s32 @!p0 s5, $0x0  }
0x1f: {  	s9 =	smul.u32 $0xF7A, s1;
	s8 =	simm.s32 @!p0 $0x1BF5;
	p2 =	por !p2, p0  }
0x20: {  	[sflag:s8] =	ssyncset.s32 @!p0 $0xFFFFF086;
	s6 =	sadd.s32 @!p0 s3, s7;
	s7 =	simm.s32 @!p0 $0x108  }
0x21: {  	s3 =	sadd.s32 s3, s9;
	s6 =	sadd.s32 @!p0 $0x88, s6;
	s7 =	simm.s32 @p2 $0x1082  }
0x22: {  	[simem:s7], [sflag:s8] =	dma.local @!p0 [hbm:s6], $0xF7A  }
0x23: {  	s9 =	sor.u32 $0xD0000000, s2;
	s6 =	simm.s32 $0x108;
	_ =	swait.ge @!p0 [sflag:s8], $0x0  }
0x24: {  	s3 =	sadd.s32 $0x88, s3;
	s6 =	simm.s32 @!p1 $0x1082;
	[sflag:s4] =	ssyncset.s32 $0xFFFFF086  }
0x25: {  	[simem:s6], [sflag:s4] =	dma.local [hbm:s3], $0xF7A  }
0x26: {  	[smem:$0x3F9F] =	sst s1;
	(tag) =	ssettag s2;
	_ =	strace s9  }
0x27: {  	s1 =	sld [smem:$0x3FAF]  }
0x28: {  	s2 =	sld [smem:$0x3FB0]  }
0x29: {  	s4 =	sld [smem:$0x3FB2]  }
0x2a: {  	p0 =	seq.s32 s5, $0x0;
	s5 =	sld [smem:$0x3FB3]  }
0x2b: {  	s6 =	sld [smem:$0x3FB4]  }
0x2c: {  	s7 =	sld [smem:$0x3FB5]  }
0x2d: {  	s3 =	simm.s32 $0x108;
	s8 =	sld [smem:$0x3FB6]  }
0x2e: {  	s3 =	simm.s32 @!p0 $0x1082;
	s9 =	sld [smem:$0x3FB7]  }
0x2f: {  	lr =	sadd.s32 s0, s3;
	s0 =	sld [smem:$0x3FAE]  }
0x30: {  	s3 =	sld [smem:$0x3FB1]  }
0x31: {  	[smem:$0x3FBA] =	sst s10  }
0x32: {  	s10 =	sld [smem:$0x3FB8];
	_ =	sdelay $0x3  }
0x33: {  	p0 =	seq.s32 s10, $0x1;
	s10 =	sld [smem:$0x3FBA];
	_ =	sdelay $0x3  }
0x34: {  	[smem:$0x3FBA] =	sst s10  }
0x35: {  	s10 =	sld [smem:$0x3FB9];
	_ =	sdelay $0x3  }
0x36: {  	p1 =	seq.s32 s10, $0x1;
	s10 =	sld [smem:$0x3FBA];
	_ =	sdelay $0x3  }
0x37: {  	[smem:$0x3FBA] =	sst s10  }
0x38: {  	s10 =	sld [smem:$0x3FBB]  }
0x39: {  	_ = 	snop;
	(pc) =	sbr.ind lr, $3  }
0x3a: {  	_ = 	snop  }
0x3b: {  	_ = 	snop  }
0x3c: {  	p2 =	seq.s32 s10, $0x1;
	s10 =	sld [smem:$0x3FBA]  }
0x3d: {  	_ =	shalt  }
0x3e: {  	_ =	shalt  }
0x3f: {  	_ =	shalt  }
0x40: {  	_ =	shalt  }
0x41: {  	_ =	shalt  }
0x42: {  	_ =	shalt  }
0x43: {  	_ =	shalt  }
0x44: {  	_ =	shalt  }
0x45: {  	_ =	shalt  }
0x46: {  	_ =	shalt  }
0x47: {  	_ =	shalt  }
0x48: {  	_ =	shalt  }
0x49: {  	_ =	shalt  }
0x4a: {  	_ =	shalt  }
0x4b: {  	_ =	shalt  }
0x4c: {  	_ =	shalt  }
0x4d: {  	_ =	shalt  }
0x4e: {  	_ =	shalt  }
0x4f: {  	_ =	shalt  }
0x50: {  	_ =	shalt  }
0x51: {  	_ =	shalt  }
0x52: {  	_ =	shalt  }
0x53: {  	_ =	shalt  }
0x54: {  	_ =	shalt  }
0x55: {  	_ =	shalt  }
0x56: {  	_ =	shalt  }
0x57: {  	_ =	shalt  }
0x58: {  	_ =	shalt  }
0x59: {  	_ =	shalt  }
0x5a: {  	_ =	shalt  }
0x5b: {  	_ =	shalt  }
0x5c: {  	_ =	shalt  }
0x5d: {  	_ =	shalt  }
0x5e: {  	_ =	shalt  }
0x5f: {  	_ =	shalt  }
0x60: {  	_ =	shalt  }
0x61: {  	_ =	shalt  }
0x62: {  	_ =	shalt  }
0x63: {  	_ =	shalt  }
0x64: {  	_ =	shalt  }
0x65: {  	_ =	shalt  }
0x66: {  	_ =	shalt  }
0x67: {  	_ =	shalt  }
0x68: {  	_ =	shalt  }
0x69: {  	_ =	shalt  }
0x6a: {  	_ =	shalt  }
0x6b: {  	_ =	shalt  }
0x6c: {  	_ =	shalt  }
0x6d: {  	_ =	shalt  }
0x6e: {  	_ =	shalt  }
0x6f: {  	_ =	shalt  }
0x70: {  	_ =	shalt  }
0x71: {  	_ =	shalt  }
0x72: {  	_ =	shalt  }
0x73: {  	_ =	shalt  }
0x74: {  	_ =	shalt  }
0x75: {  	_ =	shalt  }
0x76: {  	_ =	shalt  }
0x77: {  	_ =	shalt  }
0x78: {  	_ =	shalt  }
0x79: {  	_ =	shalt  }
0x7a: {  	_ =	shalt  }
0x7b: {  	_ =	shalt  }
0x7c: {  	_ =	shalt  }
0x7d: {  	_ =	shalt  }
0x7e: {  	_ =	shalt  }
0x7f: {  	_ =	shalt  }
0x80: {  	_ =	shalt  }
0x81: {  	_ =	shalt  }
0x82: {  	_ =	shalt  }
0x83: {  	_ =	shalt  }
0x84: {  	_ =	shalt  }
0x85: {  	_ =	shalt  }
0x86: {  	_ =	shalt  }
0x87: {  	_ =	shalt  }
.Lfunc_end0:
.L_simem_size_0:
called_computation_lowered:
.L_overlay_start_0:
0x88: {  	s2 =	sld [smem:$0x3FD9]  }
0x89: {  	s3 =	sld [smem:$0x3FFE];
	_ =	sdelay $0x1  }
0x8a: {  	s1 =	srdreg.scid  }
0x8b: {  	s0 =	sand.u32 $0x1, s1  }
0x8c: {  	s17 =	sshll.u32 s0, $0xA;
	s2 =	sadd.s32 s3, s2  }
0x8d: {  	s2 =	sadd.s32 s2, s17  }
0x8e: {  	[smem:$0x3FC6] =	sst s2  }
0x8f: {  	_ = 	snop  }
0x90: {  	s2 =	sld [smem:$0x3FC8]  }
0x91: {  	s18 =	sld [smem:$0x3FD0];
	(tm) =	ssettm $0x1  }
0x92: {  	s4 =	sld [smem:$0x3FFB];
	_ =	sdelay $0x3  }
0x93: {  	_ =	strace s4  }
0x94: {  	s4 =	sld [smem:$0x3FFC];
	_ =	sdelay $0x3  }
0x95: {  	_ =	strace s4  }
0x96: {  	s4 =	sld [smem:$0x3FFD];
	_ =	sdelay $0x3  }
0x97: {  	_ =	strace s4  }
0x98: {  	_ =	strace $0x8FFFFFFF  }
0x99: {  	s19 =	sld [smem:$0x3FDB];
	_ =	sdelay $0x1  }
0x9a: {  	s5 =	simm.s32 $_scs_section_size  }
0x9b: {  	s6 =	simm.s32 $_size__tile_overlayer_lowered;
	s7 =	simm.s32 $_tile_overlayer_lowered  }
0x9c: {  	s22 =	simm.s32 $0x1BFF;
	s21 =	sshll.u32 s7, $0x1;
	s4 =	sadd.s32 s5, s19  }
0x9d: {  	s8 =	simm.s32 $0x0;
	s20 =	sshll.u32 s6, $0x1;
	s6 =	sadd.s32 s21, s4  }
0x9e: {  	[timem:s8], [sflag:s22] =	dma.local [hbm:s6], s20  }
0x9f: {  	_ =	swait.ge [sflag:s22], s20  }
0xa0: {  	s5 =	ssub.s32 $0x0, s20;
	[sflag:s22] =	ssyncset.done $0x0  }
0xa1: {  	[sflag:s22] =	ssyncadd.s32 s5;
	_ =	sdelay $0x1  }
0xa2: {  	s23 =	simm.s32 $0x1B8B  }
0xa3: {  	_ =	swait.ge [sflag:s23], $0x1  }
0xa4: {  	[sflag:s23] =	ssyncset.done $0x0  }
0xa5: {  	s25 =	simm.s32 $0x1B8E;
	s24 =	sld [smem:$0x3FFE];
	[sflag:s23] =	ssyncadd.s32 $0xFFFFFFFF  }
0xa6: {  	s26 =	simm.s32 $execute0_lowered;
	[smem:$0x3FD2] =	sst s25  }
0xa7: {  	s6 =	sshll.u32 s26, $0x1;
	_ =	strace $0x80000046;
	[dreg:$0x1] =	wrdreg $0xFFFFFFFF  }
0xa8: {  	s28 =	simm.s32 $_size_execute0_lowered;
	s4 =	sadd.s32 s4, s6;
	[dreg:$0x0] =	wrdreg $0x0  }
0xa9: {  	s6 =	sshll.u32 s28, $0x1;
	[dreg:$0x2] =	wrdreg s4  }
0xaa: {  	[dreg:$0x3] =	wrdreg s6  }
0xab: {  	[dreg:$0x4] =	wrdreg $0xC0  }
0xac: {  	_ =	task [dreg:s8], $0x5FFFF  }
0xad: {  	[dreg:$0x1] =	wrdreg $0xFFFFFFFF  }
0xae: {  	[dreg:$0x0] =	wrdreg $0x60  }
0xaf: {  	[dreg:$0x2] =	wrdreg s24  }
0xb0: {  	[dreg:$0x3] =	wrdreg s2  }
0xb1: {  	[dreg:$0x4] =	wrdreg s18  }
0xb2: {  	[dreg:$0x5] =	wrdreg $0x9  }
0xb3: {  	_ =	task.clear_ibuf [dreg:s8], $0x6FFFF;
	_ =	strace $0x90000046  }
0xb4: {  	s29 =	simm.s32 $0x9;
	_ =	strace $0x80000048  }
0xb5: {  	_ =	swait.ge [sflag:s29], $0x1  }
0xb6: {  	[sflag:s29] =	ssyncadd.s32 $0xFFFFFFFF  }
0xb7: {  	_ =	strace $0x90000048  }
0xb8: {  	_ =	sfence  }
0xb9: {  	s30 =	sld [smem:$0x0];
	_ =	sdelay $0x2  }
0xba: {  	s31 =	sshll.u32 s1, $0xD;
	s1 =	sshrl.u32 s1, $0x2  }
0xbb: {  	s3 =	sand.u32 $0x4000, s31;
	s1 =	sadd.s32 s1, s30  }
0xbc: {  	s0 =	sor.u32 s3, s0;
	s1 =	sshll.u32 s1, $0x11  }
0xbd: {  	s0 =	sor.u32 s1, s0  }
0xbe: {  	s0 =	sadd.s32 $0x8F2B, s0  }
0xbf: {  	[sflag:s0] =	ssyncadd.remote.s32 $0x1  }
0xc0: {  	_ =	sfence.sel $0xFFFF  }
0xc1: {  	[dreg:$0x0] =	wrdreg $0xFFFFFFFF;
	(pc) =	sbr.abs _section_cstart, $3  }
0xc2: {  	[dreg:$0x1] =	wrdreg $0xFFFFFFFF  }
0xc3: {  	_ =	task.clear_ibuf [dreg:s8], $0x2FFFF;
	_ =	strace $0x9FFFFFFF  }
0xc4: {  	(tm) =	ssettm $0x7FFFFFFF  }
0xc5: {  	_ =	shalt  }
tec
execute0_lowered:
.L_overlay_start_1:
0x0: {  	(tag) =	ssettag $0x1  }
0x1: {  	s0 =	rddreg [dreg:$0x0]  }
0x2: {  	s2 =	rddreg [dreg:$0x1];
	s1 =	srdreg.scid  }
0x3: {  	s10 =	stileid.u32;
	s12 =	rddreg [dreg:$0x2];
	s3 =	simm.s32 $0x0  }
0x4: {  	s15 =	simm.s32 $0x50;
	s16 =	simm.s32 $0x1900;
	s17 =	simm.s32 $0x4100  }
0x5: {  	s19 =	simm.s32 $0x6900;
	s21 =	simm.s32 $0x9100;
	s22 =	simm.s32 $0x1  }
0x6: {  	s24 =	simm.s32 $0xB900;
	s29 =	simm.s32 $0x10900;
	s30 =	simm.s32 $0x230  }
0x7: {  	s1 =	sand.u32 $0x1, s1;
	s4 =	sshll.u32 s10, $0x1;
	s14 =	smul.u32 $0x32000, s10  }
0x8: {  	s4 =	sor.u32 s1, s4;
	s6 =	ssub.s32 $0x2, s1;
	s1 =	smul.u32 $0x19000, s1  }
0x9: {  	s31 =	simm.s32 $0x13100;
	[smem:$0x7FF] =	sst s3;
	s5 =	smul.u32 $0x1900, s4  }
0xa: {  	s18 =	simm.s32 $0x0;
	_ =	strace $0x80000047;
	s7 =	smul.u32 $0x19000, s4  }
0xb: {  	s8 =	sshrl.u32 s6, $0x1;
	s9 =	smul.u32 $0xC8000, s4;
	s14 =	sadd.s32 s14, s12  }
0xc: {  	s13 =	ssub.s32 s6, s8;
	s28 =	sadd.s32 s1, s14;
	s14 =	simm.s32 $0x4  }
0xd: {  	s1 =	simm.s32 $0x2;
	s5 =	sshrl.u32 s5, $0x3;
	s4 =	sadd.s32 s12, s7  }
0xe: {  	s26 =	sshrl.u32 s9, $0x3;
	s13 =	smax.u32 s13, $0x1;
	[dreg:$0x4] =	wrdreg s28  }
0xf: {  	s0 =	sadd.s32 s5, s0;
	s6 =	sadd.s32 $0x500, s4;
	s7 =	sadd.s32 $0xA00, s4  }
0x10: {  	s8 =	sadd.s32 $0xF00, s4;
	s5 =	sadd.s32 $0x400, s0;
	s0 =	sadd.s32 s12, s26  }
0x11: {  	s26 =	simm.s32 $0xE100;
	s9 =	sadd.s32 $0x1400, s0;
	s10 =	sadd.s32 $0x1900, s0  }
0x12: {  	s11 =	sadd.s32 $0x1E00, s0;
	s12 =	sadd.s32 $0x2300, s0;
	s0 =	simm.s32 $0x3  }
.LBB2_1:
0x13: {  	[tilespmem:s3], [sflag:$0x4] =	stream.linear.gather [hbm4b:s5+s3], $0x1900, $0x38;
	[tilespmem:$0x15900] =	vst v63  }
0x14: {  	_ =	swait.ge [sflag:s14], $0x1900  }
0x15: {  	[sflag:s14] =	ssyncset.done $0x0  }
0x16: {  	[sflag:s14] =	ssyncadd.s32 $0xFFFFE700  }
0x17: {  	[tilespmem:s16], [sflag:$0x1] =	stream.indirect.gather [hbm4b:s2+s15], $0x80, s3, s15, $0xb8;
	[tilespmem:$0x15900] =	vst v63  }
0x18: {  	_ = 	snop  }
0x19: {  	[tilespmem:s17], [sflag:$0x1] =	stream.indirect.gather [hbm4b:s2+s15], $0x80, s15, s15, $0xb8;
	[tilespmem:$0x15900] =	vst v63  }
0x1a: {  	s20 =	simm.s32 $0xA0  }
0x1b: {  	[tilespmem:s19], [sflag:$0x1] =	stream.indirect.gather [hbm4b:s2+s15], $0x80, s20, s15, $0xb8;
	[tilespmem:$0x15900] =	vst v63  }
0x1c: {  	s25 =	simm.s32 $0xF0  }
0x1d: {  	[tilespmem:s21], [sflag:$0x1] =	stream.indirect.gather [hbm4b:s2+s15], $0x80, s25, s15, $0xb8;
	[tilespmem:$0x15900] =	vst v63  }
0x1e: {  	_ =	swait.ge [sflag:s22], $0x2800  }
0x1f: {  	[sflag:s22] =	ssyncset.done $0x0  }
0x20: {  	[sflag:s22] =	ssyncadd.s32 $0xFFFFD800  }
0x21: {  	_ =	swait.ge [sflag:s22], $0x2800  }
0x22: {  	[sflag:s22] =	ssyncset.done $0x0  }
0x23: {  	[sflag:s22] =	ssyncadd.s32 $0xFFFFD800  }
0x24: {  	_ =	swait.ge [sflag:s22], $0x2800  }
0x25: {  	[sflag:s22] =	ssyncset.done $0x0  }
0x26: {  	[sflag:s22] =	ssyncadd.s32 $0xFFFFD800  }
0x27: {  	_ =	swait.ge [sflag:s22], $0x2800  }
0x28: {  	[sflag:s22] =	ssyncset.done $0x0  }
0x29: {  	[sflag:s22] =	ssyncadd.s32 $0xFFFFD800  }
0x2a: {  	[hbm4b:s4+s3] =	stream.linear.scatter [tilespmem:s16], [sflag:$0x2], $0x2800, $0x38;
	[tilespmem:$0x15900] =	vst v63  }
0x2b: {  	_ = 	snop  }
0x2c: {  	[hbm4b:s6+s3] =	stream.linear.scatter [tilespmem:s17], [sflag:$0x2], $0x2800, $0x38;
	[tilespmem:$0x15900] =	vst v63  }
0x2d: {  	_ = 	snop  }
0x2e: {  	[hbm4b:s7+s3] =	stream.linear.scatter [tilespmem:s19], [sflag:$0x2], $0x2800, $0x38;
	[tilespmem:$0x15900] =	vst v63  }
0x2f: {  	_ = 	snop  }
0x30: {  	[hbm4b:s8+s3] =	stream.linear.scatter [tilespmem:s21], [sflag:$0x2], $0x2800, $0x38;
	[tilespmem:$0x15900] =	vst v63  }
0x31: {  	s28 =	simm.s32 $0x140  }
0x32: {  	[tilespmem:s24], [sflag:$0x1] =	stream.indirect.gather [hbm4b:s2+s15], $0x80, s28, s15, $0xb8;
	[tilespmem:$0x15900] =	vst v63  }
0x33: {  	s23 =	simm.s32 $0x190  }
0x34: {  	[tilespmem:s26], [sflag:$0x1] =	stream.indirect.gather [hbm4b:s2+s15], $0x80, s23, s15, $0xb8;
	[tilespmem:$0x15900] =	vst v63  }
0x35: {  	s25 =	simm.s32 $0x1E0  }
0x36: {  	[tilespmem:s29], [sflag:$0x1] =	stream.indirect.gather [hbm4b:s2+s15], $0x80, s25, s15, $0xb8;
	[tilespmem:$0x15900] =	vst v63  }
0x37: {  	_ = 	snop  }
0x38: {  	[tilespmem:s31], [sflag:$0x1] =	stream.indirect.gather [hbm4b:s2+s15], $0x80, s30, s15, $0xb8;
	[tilespmem:$0x15900] =	vst v63  }
0x39: {  	_ =	swait.ge [sflag:s22], $0x2800  }
0x3a: {  	[sflag:s22] =	ssyncset.done $0x0  }
0x3b: {  	[sflag:s22] =	ssyncadd.s32 $0xFFFFD800  }
0x3c: {  	_ =	swait.ge [sflag:s22], $0x2800  }
0x3d: {  	[sflag:s22] =	ssyncset.done $0x0  }
0x3e: {  	[sflag:s22] =	ssyncadd.s32 $0xFFFFD800  }
0x3f: {  	_ =	swait.ge [sflag:s22], $0x2800  }
0x40: {  	[sflag:s22] =	ssyncset.done $0x0  }
0x41: {  	[sflag:s22] =	ssyncadd.s32 $0xFFFFD800  }
0x42: {  	_ =	swait.ge [sflag:s22], $0x2800  }
0x43: {  	[sflag:s22] =	ssyncset.done $0x0  }
0x44: {  	[sflag:s22] =	ssyncadd.s32 $0xFFFFD800  }
0x45: {  	[hbm4b:s9+s3] =	stream.linear.scatter [tilespmem:s24], [sflag:$0x3], $0x2800, $0x38;
	[tilespmem:$0x15900] =	vst v63  }
0x46: {  	_ = 	snop  }
0x47: {  	[hbm4b:s10+s3] =	stream.linear.scatter [tilespmem:s26], [sflag:$0x3], $0x2800, $0x38;
	[tilespmem:$0x15900] =	vst v63  }
0x48: {  	_ = 	snop  }
0x49: {  	[hbm4b:s11+s3] =	stream.linear.scatter [tilespmem:s29], [sflag:$0x3], $0x2800, $0x38;
	[tilespmem:$0x15900] =	vst v63  }
0x4a: {  	_ = 	snop  }
0x4b: {  	[hbm4b:s12+s3] =	stream.linear.scatter [tilespmem:s31], [sflag:$0x3], $0x2800, $0x38;
	[tilespmem:$0x15900] =	vst v63  }
0x4c: {  	_ =	swait.ge [sflag:s1], $0x2800  }
0x4d: {  	[sflag:s1] =	ssyncset.done $0x0  }
0x4e: {  	[sflag:s1] =	ssyncadd.s32 $0xFFFFD800  }
0x4f: {  	_ =	swait.ge [sflag:s1], $0x2800  }
0x50: {  	[sflag:s1] =	ssyncset.done $0x0  }
0x51: {  	[sflag:s1] =	ssyncadd.s32 $0xFFFFD800  }
0x52: {  	_ =	swait.ge [sflag:s1], $0x2800  }
0x53: {  	[sflag:s1] =	ssyncset.done $0x0  }
0x54: {  	[sflag:s1] =	ssyncadd.s32 $0xFFFFD800  }
0x55: {  	_ =	swait.ge [sflag:s1], $0x2800  }
0x56: {  	[sflag:s1] =	ssyncset.done $0x0  }
0x57: {  	s28 =	simm.s32 $0x280;
	[sflag:s1] =	ssyncadd.s32 $0xFFFFD800  }
0x58: {  	[tilespmem:s16], [sflag:$0x1] =	stream.indirect.gather [hbm4b:s2+s15], $0x80, s28, s15, $0xb8;
	[tilespmem:$0x15900] =	vst v63  }
0x59: {  	s23 =	simm.s32 $0x2D0  }
0x5a: {  	[tilespmem:s17], [sflag:$0x1] =	stream.indirect.gather [hbm4b:s2+s15], $0x80, s23, s15, $0xb8;
	[tilespmem:$0x15900] =	vst v63  }
0x5b: {  	s25 =	simm.s32 $0x320  }
0x5c: {  	[tilespmem:s19], [sflag:$0x1] =	stream.indirect.gather [hbm4b:s2+s15], $0x80, s25, s15, $0xb8;
	[tilespmem:$0x15900] =	vst v63  }
0x5d: {  	s28 =	simm.s32 $0x370  }
0x5e: {  	[tilespmem:s21], [sflag:$0x1] =	stream.indirect.gather [hbm4b:s2+s15], $0x80, s28, s15, $0xb8;
	[tilespmem:$0x15900] =	vst v63  }
0x5f: {  	_ =	swait.ge [sflag:s22], $0x2800  }
0x60: {  	[sflag:s22] =	ssyncset.done $0x0  }
0x61: {  	[sflag:s22] =	ssyncadd.s32 $0xFFFFD800  }
0x62: {  	_ =	swait.ge [sflag:s22], $0x2800  }
0x63: {  	[sflag:s22] =	ssyncset.done $0x0  }
0x64: {  	[sflag:s22] =	ssyncadd.s32 $0xFFFFD800  }
0x65: {  	_ =	swait.ge [sflag:s22], $0x2800  }
0x66: {  	[sflag:s22] =	ssyncset.done $0x0  }
0x67: {  	[sflag:s22] =	ssyncadd.s32 $0xFFFFD800  }
0x68: {  	_ =	swait.ge [sflag:s22], $0x2800  }
0x69: {  	s23 =	rddreg [dreg:$0x4]  }
0x6a: {  	[sflag:s22] =	ssyncset.done $0x0;
	s23 =	sadd.s32 $0x0, s23  }
0x6b: {  	[sflag:s22] =	ssyncadd.s32 $0xFFFFD800;
	s20 =	sadd.s32 $0x2800, s23  }
0x6c: {  	[hbm4b:s20+s3] =	stream.linear.scatter [tilespmem:s16], [sflag:$0x2], $0x2800, $0x38;
	[tilespmem:$0x15900] =	vst v63  }
0x6d: {  	s25 =	sadd.s32 $0x2D00, s23  }
0x6e: {  	[hbm4b:s25+s3] =	stream.linear.scatter [tilespmem:s17], [sflag:$0x2], $0x2800, $0x38;
	[tilespmem:$0x15900] =	vst v63  }
0x6f: {  	s28 =	sadd.s32 $0x3200, s23  }
0x70: {  	[hbm4b:s28+s3] =	stream.linear.scatter [tilespmem:s19], [sflag:$0x2], $0x2800, $0x38;
	[tilespmem:$0x15900] =	vst v63  }
0x71: {  	s25 =	sadd.s32 $0x3700, s23  }
0x72: {  	[hbm4b:s25+s3] =	stream.linear.scatter [tilespmem:s21], [sflag:$0x2], $0x2800, $0x38;
	[tilespmem:$0x15900] =	vst v63  }
0x73: {  	_ =	swait.ge [sflag:s0], $0x2800  }
0x74: {  	[sflag:s0] =	ssyncset.done $0x0  }
0x75: {  	[sflag:s0] =	ssyncadd.s32 $0xFFFFD800  }
0x76: {  	_ =	swait.ge [sflag:s0], $0x2800  }
0x77: {  	[sflag:s0] =	ssyncset.done $0x0  }
0x78: {  	[sflag:s0] =	ssyncadd.s32 $0xFFFFD800  }
0x79: {  	_ =	swait.ge [sflag:s0], $0x2800  }
0x7a: {  	[sflag:s0] =	ssyncset.done $0x0  }
0x7b: {  	[sflag:s0] =	ssyncadd.s32 $0xFFFFD800  }
0x7c: {  	_ =	swait.ge [sflag:s0], $0x2800  }
0x7d: {  	[sflag:s0] =	ssyncset.done $0x0  }
0x7e: {  	s28 =	simm.s32 $0x3C0;
	[sflag:s0] =	ssyncadd.s32 $0xFFFFD800  }
0x7f: {  	[tilespmem:s24], [sflag:$0x1] =	stream.indirect.gather [hbm4b:s2+s15], $0x80, s28, s15, $0xb8;
	[tilespmem:$0x15900] =	vst v63  }
0x80: {  	s25 =	simm.s32 $0x410  }
0x81: {  	[tilespmem:s26], [sflag:$0x1] =	stream.indirect.gather [hbm4b:s2+s15], $0x80, s25, s15, $0xb8;
	[tilespmem:$0x15900] =	vst v63  }
0x82: {  	s28 =	simm.s32 $0x460  }
0x83: {  	[tilespmem:s29], [sflag:$0x1] =	stream.indirect.gather [hbm4b:s2+s15], $0x80, s28, s15, $0xb8;
	[tilespmem:$0x15900] =	vst v63  }
0x84: {  	s25 =	simm.s32 $0x4B0  }
0x85: {  	[tilespmem:s31], [sflag:$0x1] =	stream.indirect.gather [hbm4b:s2+s15], $0x80, s25, s15, $0xb8;
	[tilespmem:$0x15900] =	vst v63  }
0x86: {  	_ =	swait.ge [sflag:s22], $0x2800  }
0x87: {  	[sflag:s22] =	ssyncset.done $0x0  }
0x88: {  	[sflag:s22] =	ssyncadd.s32 $0xFFFFD800  }
0x89: {  	_ =	swait.ge [sflag:s22], $0x2800  }
0x8a: {  	[sflag:s22] =	ssyncset.done $0x0  }
0x8b: {  	[sflag:s22] =	ssyncadd.s32 $0xFFFFD800  }
0x8c: {  	_ =	swait.ge [sflag:s22], $0x2800  }
0x8d: {  	[sflag:s22] =	ssyncset.done $0x0  }
0x8e: {  	[sflag:s22] =	ssyncadd.s32 $0xFFFFD800  }
0x8f: {  	_ =	swait.ge [sflag:s22], $0x2800  }
0x90: {  	[sflag:s22] =	ssyncset.done $0x0  }
0x91: {  	s28 =	sadd.s32 $0x3C00, s23;
	[sflag:s22] =	ssyncadd.s32 $0xFFFFD800  }
0x92: {  	[hbm4b:s28+s3] =	stream.linear.scatter [tilespmem:s24], [sflag:$0x3], $0x2800, $0x38;
	[tilespmem:$0x15900] =	vst v63  }
0x93: {  	s20 =	simm.s32 $0x2800;
	s25 =	sadd.s32 $0x4100, s23  }
0x94: {  	[hbm4b:s25+s3] =	stream.linear.scatter [tilespmem:s26], [sflag:$0x3], $0x2800, $0x38;
	[tilespmem:$0x15900] =	vst v63  }
0x95: {  	s28 =	sadd.s32 $0x4600, s23;
	s25 =	sadd.s32 $0x4B00, s23;
	s23 =	simm.s32 $0x730  }
0x96: {  	[hbm4b:s28+s3] =	stream.linear.scatter [tilespmem:s29], [sflag:$0x3], $0x2800, $0x38;
	[tilespmem:$0x15900] =	vst v63  }
.LBB2_2:
0x97: {  	[hbm4b:s25+s3] =	stream.linear.scatter [tilespmem:s31], [sflag:$0x3], $0x2800, $0x38;
	[tilespmem:$0x15900] =	vst v63  }
0x98: {  	_ =	swait.ge [sflag:s1], $0x2800  }
0x99: {  	[sflag:s1] =	ssyncset.done $0x0  }
0x9a: {  	[sflag:s1] =	ssyncadd.s32 $0xFFFFD800  }
0x9b: {  	_ =	swait.ge [sflag:s1], $0x2800  }
0x9c: {  	[sflag:s1] =	ssyncset.done $0x0  }
0x9d: {  	[sflag:s1] =	ssyncadd.s32 $0xFFFFD800  }
0x9e: {  	_ =	swait.ge [sflag:s1], $0x2800  }
0x9f: {  	[sflag:s1] =	ssyncset.done $0x0  }
0xa0: {  	[sflag:s1] =	ssyncadd.s32 $0xFFFFD800  }
0xa1: {  	_ =	swait.ge [sflag:s1], $0x2800  }
0xa2: {  	[sflag:s1] =	ssyncset.done $0x0  }
0xa3: {  	s28 =	sadd.s32 $0xFFFFFDD0, s23;
	[sflag:s1] =	ssyncadd.s32 $0xFFFFD800  }
0xa4: {  	[tilespmem:s16], [sflag:$0x1] =	stream.indirect.gather [hbm4b:s2+s15], $0x80, s28, s15, $0xb8;
	[tilespmem:$0x15900] =	vst v63  }
0xa5: {  	s28 =	sadd.s32 $0xFFFFFE20, s23  }
0xa6: {  	[tilespmem:s17], [sflag:$0x1] =	stream.indirect.gather [hbm4b:s2+s15], $0x80, s28, s15, $0xb8;
	[tilespmem:$0x15900] =	vst v63  }
0xa7: {  	s28 =	sadd.s32 $0xFFFFFE70, s23  }
0xa8: {  	[tilespmem:s19], [sflag:$0x1] =	stream.indirect.gather [hbm4b:s2+s15], $0x80, s28, s15, $0xb8;
	[tilespmem:$0x15900] =	vst v63  }
0xa9: {  	s28 =	sadd.s32 $0xFFFFFEC0, s23  }
0xaa: {  	[tilespmem:s21], [sflag:$0x1] =	stream.indirect.gather [hbm4b:s2+s15], $0x80, s28, s15, $0xb8;
	[tilespmem:$0x15900] =	vst v63  }
0xab: {  	_ =	swait.ge [sflag:s22], $0x2800  }
0xac: {  	[sflag:s22] =	ssyncset.done $0x0  }
0xad: {  	[sflag:s22] =	ssyncadd.s32 $0xFFFFD800  }
0xae: {  	_ =	swait.ge [sflag:s22], $0x2800  }
0xaf: {  	[sflag:s22] =	ssyncset.done $0x0  }
0xb0: {  	[sflag:s22] =	ssyncadd.s32 $0xFFFFD800  }
0xb1: {  	_ =	swait.ge [sflag:s22], $0x2800  }
0xb2: {  	[sflag:s22] =	ssyncset.done $0x0  }
0xb3: {  	[sflag:s22] =	ssyncadd.s32 $0xFFFFD800  }
0xb4: {  	_ =	swait.ge [sflag:s22], $0x2800  }
0xb5: {  	s25 =	smov.u32 s20;
	s28 =	rddreg [dreg:$0x4]  }
0xb6: {  	[sflag:s22] =	ssyncset.done $0x0;
	s25 =	sadd.s32 s25, s28  }
0xb7: {  	[sflag:s22] =	ssyncadd.s32 $0xFFFFD800;
	s28 =	sadd.s32 $0x2800, s25  }
0xb8: {  	[hbm4b:s28+s3] =	stream.linear.scatter [tilespmem:s16], [sflag:$0x2], $0x2800, $0x38;
	[tilespmem:$0x15900] =	vst v63  }
0xb9: {  	s28 =	sadd.s32 $0x2D00, s25  }
0xba: {  	[hbm4b:s28+s3] =	stream.linear.scatter [tilespmem:s17], [sflag:$0x2], $0x2800, $0x38;
	[tilespmem:$0x15900] =	vst v63  }
0xbb: {  	s28 =	sadd.s32 $0x3200, s25  }
0xbc: {  	[hbm4b:s28+s3] =	stream.linear.scatter [tilespmem:s19], [sflag:$0x2], $0x2800, $0x38;
	[tilespmem:$0x15900] =	vst v63  }
0xbd: {  	s28 =	sadd.s32 $0x3700, s25  }
0xbe: {  	[hbm4b:s28+s3] =	stream.linear.scatter [tilespmem:s21], [sflag:$0x2], $0x2800, $0x38;
	[tilespmem:$0x15900] =	vst v63  }
0xbf: {  	_ =	swait.ge [sflag:s0], $0x2800  }
0xc0: {  	[sflag:s0] =	ssyncset.done $0x0  }
0xc1: {  	[sflag:s0] =	ssyncadd.s32 $0xFFFFD800  }
0xc2: {  	_ =	swait.ge [sflag:s0], $0x2800  }
0xc3: {  	[sflag:s0] =	ssyncset.done $0x0  }
0xc4: {  	[sflag:s0] =	ssyncadd.s32 $0xFFFFD800  }
0xc5: {  	_ =	swait.ge [sflag:s0], $0x2800  }
0xc6: {  	[sflag:s0] =	ssyncset.done $0x0  }
0xc7: {  	[sflag:s0] =	ssyncadd.s32 $0xFFFFD800  }
0xc8: {  	_ =	swait.ge [sflag:s0], $0x2800  }
0xc9: {  	[sflag:s0] =	ssyncset.done $0x0  }
0xca: {  	s28 =	sadd.s32 $0xFFFFFF10, s23;
	[sflag:s0] =	ssyncadd.s32 $0xFFFFD800  }
0xcb: {  	[tilespmem:s24], [sflag:$0x1] =	stream.indirect.gather [hbm4b:s2+s15], $0x80, s28, s15, $0xb8;
	[tilespmem:$0x15900] =	vst v63  }
0xcc: {  	s28 =	sadd.s32 $0xFFFFFF60, s23  }
0xcd: {  	[tilespmem:s26], [sflag:$0x1] =	stream.indirect.gather [hbm4b:s2+s15], $0x80, s28, s15, $0xb8;
	[tilespmem:$0x15900] =	vst v63  }
0xce: {  	s28 =	sadd.s32 $0xFFFFFFB0, s23  }
0xcf: {  	[tilespmem:s29], [sflag:$0x1] =	stream.indirect.gather [hbm4b:s2+s15], $0x80, s28, s15, $0xb8;
	[tilespmem:$0x15900] =	vst v63  }
0xd0: {  	_ = 	snop  }
0xd1: {  	[tilespmem:s31], [sflag:$0x1] =	stream.indirect.gather [hbm4b:s2+s15], $0x80, s23, s15, $0xb8;
	[tilespmem:$0x15900] =	vst v63  }
0xd2: {  	_ =	swait.ge [sflag:s22], $0x2800  }
0xd3: {  	[sflag:s22] =	ssyncset.done $0x0  }
0xd4: {  	[sflag:s22] =	ssyncadd.s32 $0xFFFFD800  }
0xd5: {  	_ =	swait.ge [sflag:s22], $0x2800  }
0xd6: {  	[sflag:s22] =	ssyncset.done $0x0  }
0xd7: {  	[sflag:s22] =	ssyncadd.s32 $0xFFFFD800  }
0xd8: {  	_ =	swait.ge [sflag:s22], $0x2800  }
0xd9: {  	[sflag:s22] =	ssyncset.done $0x0  }
0xda: {  	[sflag:s22] =	ssyncadd.s32 $0xFFFFD800  }
0xdb: {  	_ =	swait.ge [sflag:s22], $0x2800  }
0xdc: {  	[sflag:s22] =	ssyncset.done $0x0  }
0xdd: {  	p0 =	sne.s32 s20, $0x14000;
	s28 =	sadd.s32 $0x3C00, s25;
	[sflag:s22] =	ssyncadd.s32 $0xFFFFD800  }
0xde: {  	[hbm4b:s28+s3] =	stream.linear.scatter [tilespmem:s24], [sflag:$0x3], $0x2800, $0x38;
	[tilespmem:$0x15900] =	vst v63  }
.Ltmp0:
0xdf: {  	_ = 	snop;
	(pc) =	sbr.rel @p0 .LBB2_2-.Ltmp0, $4  }
0xe0: {  	s20 =	sadd.s32 $0x2800, s20;
	s28 =	sadd.s32 $0x4100, s25  }
0xe1: {  	[hbm4b:s28+s3] =	stream.linear.scatter [tilespmem:s26], [sflag:$0x3], $0x2800, $0x38;
	[tilespmem:$0x15900] =	vst v63  }
0xe2: {  	s23 =	sadd.s32 $0x280, s23;
	s28 =	sadd.s32 $0x4600, s25;
	s25 =	sadd.s32 $0x4B00, s25  }
0xe3: {  	[hbm4b:s28+s3] =	stream.linear.scatter [tilespmem:s29], [sflag:$0x3], $0x2800, $0x38;
	[tilespmem:$0x15900] =	vst v63  }
0xe4: {  	[hbm4b:s25+s3] =	stream.linear.scatter [tilespmem:s31], [sflag:$0x3], $0x2800, $0x38;
	[tilespmem:$0x15900] =	vst v63  }
0xe5: {  	_ =	swait.ge [sflag:s1], $0x2800  }
0xe6: {  	[sflag:s1] =	ssyncset.done $0x0  }
0xe7: {  	[sflag:s1] =	ssyncadd.s32 $0xFFFFD800  }
0xe8: {  	_ =	swait.ge [sflag:s1], $0x2800  }
0xe9: {  	[sflag:s1] =	ssyncset.done $0x0  }
0xea: {  	[sflag:s1] =	ssyncadd.s32 $0xFFFFD800  }
0xeb: {  	_ =	swait.ge [sflag:s1], $0x2800  }
0xec: {  	[sflag:s1] =	ssyncset.done $0x0  }
0xed: {  	[sflag:s1] =	ssyncadd.s32 $0xFFFFD800  }
0xee: {  	_ =	swait.ge [sflag:s1], $0x2800  }
0xef: {  	[sflag:s1] =	ssyncset.done $0x0  }
0xf0: {  	[sflag:s1] =	ssyncadd.s32 $0xFFFFD800  }
0xf1: {  	_ =	swait.ge [sflag:s0], $0x2800  }
0xf2: {  	[sflag:s0] =	ssyncset.done $0x0  }
0xf3: {  	[sflag:s0] =	ssyncadd.s32 $0xFFFFD800  }
0xf4: {  	_ =	swait.ge [sflag:s0], $0x2800  }
0xf5: {  	[sflag:s0] =	ssyncset.done $0x0  }
0xf6: {  	s18 =	sadd.s32 $0x1, s18;
	[sflag:s0] =	ssyncadd.s32 $0xFFFFD800  }
0xf7: {  	p0 =	sne.s32 s18, s13;
	_ =	swait.ge [sflag:s0], $0x2800  }
.Ltmp1:
0xf8: {  	[sflag:s0] =	ssyncset.done $0x0;
	(pc) =	sbr.rel @p0 .LBB2_1-.Ltmp1, $4  }
0xf9: {  	[sflag:s0] =	ssyncadd.s32 $0xFFFFD800  }
0xfa: {  	_ =	swait.ge [sflag:s0], $0x2800  }
0xfb: {  	[sflag:s0] =	ssyncset.done $0x0  }
0xfc: {  	[sflag:s0] =	ssyncadd.s32 $0xFFFFD800  }
0xfd: {  	_ =	sfence.sel $0x180000  }
0xfe: {  	[bflag:$0x0] =	sbarrier.arrive $0xFFFF  }
0xff: {  	_ =	strace $0x90000047  }
0x100: {  	s0 =	stileid.u32;
	[bflag:$0x2] =	sbarrier.arrive $0xFFFF  }
0x101: {  	p0 =	sne.s32 s0, $0x0;
	s0 =	rddreg [dreg:$0x3]  }
0x102: {  	s0 =	sadd.s32 @!p0 $0x100000, s0  }
0x103: {  	[sflag:s0] =	ssyncadd.tile.s32 @!p0 $0x1;
	_ =	shalt  }
.Lfunc_end2:
_tile_overlayer_lowered:
.L_overlay_start_2:
0x104: {  	(tag) =	ssettag $0x2  }
0x105: {  	s0 =	rddreg [dreg:$0x0];
	s2 =	stileid.u32  }
0x106: {  	s1 =	rddreg [dreg:$0x1];
	p0 =	sne.s32 s2, $0x0  }
0x107: {  	s3 =	rddreg [dreg:$0x2];
	[bflag:$0x3] =	sbarrier.arrive $0xFFFF;
	s2 =	simm.s32 @!p0 $0x1C04  }
0x108: {  	[timem:s3], [sflag:s2] =	dma.local @!p0 [hbm:s0], s1  }
0x109: {  	s0 =	simm.s32 @!p0 $0x4  }
0x10a: {  	_ =	swait.ge @!p0 [sflag:s0], s1  }
0x10b: {  	s1 =	ssub.s32 @!p0 $0x0, s1;
	[sflag:s0] =	ssyncset.done @!p0 $0x0  }
0x10c: {  	[sflag:s0] =	ssyncadd.s32 @!p0 s1  }
0x10d: {  	[bflag:$0x3] =	sbarrier.arrive $0xFFFF  }
0x10e: {  	_ =	shalt  }

</sc_bundles>
